<compile_context>
chip_gen: v7x
topology: tpu7x:2x2x1
jax: 0.10.2.dev20260603
libtpu: 0.0.44.dev20260713+nightly
codegen_flags: <defaults>
</compile_context>

<pallas_src>
import functools

import jax
import jax.numpy as jnp
from jax import lax
from jax.experimental import pallas as pl
from jax.experimental.pallas import tpu as pltpu
from jax.experimental.pallas import tpu_sc as plsc

B, IN_DIM, HID, EMB, K, L = 8, 128, 768, 256, 8192, 2048
T = L // 4
N_TOK = B * T
F32 = jnp.float32

_NC, _NS = 2, 16
_NW = _NC * _NS
_TPW = N_TOK // _NW


def _sd(a):
    return jnp.concatenate([jnp.zeros((1, a.shape[1]), a.dtype), a[:-1]], axis=0)


def _su(a):
    return jnp.concatenate([a[1:], jnp.zeros((1, a.shape[1]), a.dtype)], axis=0)


def _mm_oi(a, w):
    return lax.dot_general(a, w, (((1,), (1,)), ((), ())),
                           preferred_element_type=F32)


def _mm_io(a, w):
    return lax.dot_general(a, w, (((1,), (0,)), ((), ())),
                           preferred_element_type=F32)


def _enc_body(xp_ref, w1_ref, b1_ref, w2_ref, b2_ref, w3_ref, b3_ref, z_ref):
    xp = xp_ref[0]
    x0, x1, x2, x3 = xp[:, 0, :], xp[:, 1, :], xp[:, 2, :], xp[:, 3, :]
    b1 = b1_ref[0][None, :]
    pe = jnp.concatenate([_sd(x3), x0, x1, x2], axis=1)
    po = jnp.concatenate([x1, x2, x3, _su(x0)], axis=1)
    w1 = w1_ref[...].reshape(4 * IN_DIM, HID)
    h1e = jax.nn.relu(_mm_io(pe, w1) + b1)
    h1o = jax.nn.relu(_mm_io(po, w1) + b1)
    h2 = jax.nn.relu(_mm_oi(_sd(h1o), w2_ref[0]) + _mm_oi(h1e, w2_ref[1])
                     + _mm_oi(h1o, w2_ref[2]) + _mm_oi(_su(h1e), w2_ref[3])
                     + b2_ref[0][None, :])
    z = (_mm_oi(_sd(h2), w3_ref[0]) + _mm_oi(h2, w3_ref[1])
         + _mm_oi(_su(h2), w3_ref[2]) + b3_ref[0][None, :])
    z_ref[0] = z


def _encode(xp, w1t, b1, w2t, b2, w3t, b3):
    return pl.pallas_call(
        _enc_body,
        grid=(B,),
        in_specs=[
            pl.BlockSpec((1, T, 4, IN_DIM), lambda b: (b, 0, 0, 0)),
            pl.BlockSpec((4, IN_DIM, HID), lambda b: (0, 0, 0)),
            pl.BlockSpec((1, HID), lambda b: (0, 0)),
            pl.BlockSpec((4, HID, HID), lambda b: (0, 0, 0)),
            pl.BlockSpec((1, HID), lambda b: (0, 0)),
            pl.BlockSpec((3, EMB, HID), lambda b: (0, 0, 0)),
            pl.BlockSpec((1, EMB), lambda b: (0, 0)),
        ],
        out_specs=pl.BlockSpec((1, T, EMB), lambda b: (b, 0, 0)),
        out_shape=jax.ShapeDtypeStruct((B, T, EMB), F32),
    )(xp, w1t, b1, w2t, b2, w3t, b3)


_CB_CHUNK = 2048


_CNT_CHUNK = 1024


def _vq_body(f_ref, a_ref, csq_ref, cb_ref, i_ref, cnt_ref):
    b = pl.program_id(0)
    f = f_ref[0]
    a = a_ref[0]
    best_d = jnp.full((T, 1), jnp.inf, F32)
    best_i = jnp.zeros((T, 1), jnp.int32)
    for ci in range(K // _CB_CHUNK):
        cb_c = cb_ref[pl.ds(ci * _CB_CHUNK, _CB_CHUNK), :]
        m = _mm_oi(f, cb_c)
        csq_c = csq_ref[0, pl.ds(ci * _CB_CHUNK, _CB_CHUNK)][None, :]
        d = (a + csq_c) - 2.0 * m
        dmin = jnp.min(d, axis=1, keepdims=True)
        ids = lax.broadcasted_iota(jnp.int32, d.shape, 1)
        cand = jnp.where(d == dmin, ids, K)
        amin = jnp.min(cand, axis=1, keepdims=True) + ci * _CB_CHUNK
        upd = dmin < best_d
        best_i = jnp.where(upd, amin, best_i)
        best_d = jnp.where(upd, dmin, best_d)
    i_ref[0] = best_i
    for cj in range(K // _CNT_CHUNK):
        bins = (lax.broadcasted_iota(jnp.int32, (T, _CNT_CHUNK), 1)
                + cj * _CNT_CHUNK)
        part = jnp.sum((best_i == bins).astype(F32), axis=0)
        sl = (0, pl.ds(cj * _CNT_CHUNK, _CNT_CHUNK))
        cnt_ref[sl] = jnp.where(b == 0, part, cnt_ref[sl] + part)


def _vq_argmin(z, a, csq, codebook):
    return pl.pallas_call(
        _vq_body,
        grid=(B,),
        in_specs=[
            pl.BlockSpec((1, T, EMB), lambda b: (b, 0, 0)),
            pl.BlockSpec((1, T, 1), lambda b: (b, 0, 0)),
            pl.BlockSpec((1, K), lambda b: (0, 0)),
            pl.BlockSpec((K, EMB), lambda b: (0, 0)),
        ],
        out_specs=[
            pl.BlockSpec((1, T, 1), lambda b: (b, 0, 0)),
            pl.BlockSpec((1, K), lambda b: (0, 0)),
        ],
        out_shape=[
            jax.ShapeDtypeStruct((B, T, 1), jnp.int32),
            jax.ShapeDtypeStruct((1, K), F32),
        ],
    )(z, a, csq, codebook)


def _sc_body(cb_hbm, idx_hbm, quant_hbm, idx_v, rows_v, sem):
    cid = lax.axis_index("c")
    sid = lax.axis_index("s")
    wid = sid * _NC + cid
    base = wid * _TPW
    pltpu.sync_copy(idx_hbm.at[pl.ds(base, _TPW)], idx_v)
    pltpu.async_copy(cb_hbm.at[idx_v], rows_v, sem).wait()
    pltpu.sync_copy(rows_v, quant_hbm.at[pl.ds(base, _TPW)])


def _sc_gather(codebook, idx):
    kern = functools.partial(
        pl.kernel,
        mesh=plsc.VectorSubcoreMesh(core_axis_name="c", subcore_axis_name="s"),
        out_type=jax.ShapeDtypeStruct((N_TOK, EMB), F32),
        scratch_types=[
            pltpu.VMEM((_TPW,), jnp.int32),
            pltpu.VMEM((_TPW, EMB), F32),
            pltpu.SemaphoreType.DMA,
        ],
    )(_sc_body)
    return kern(codebook, idx)


def _dec_body(q_ref, z_ref, cnt_ref, w1_ref, b1_ref, w2_ref, b2_ref,
              w3a_ref, w3b_ref, w3s_ref, b3_ref, xr_ref, loss_ref, ppl_ref):
    b = pl.program_id(0)
    qraw = q_ref[0]
    zz = z_ref[0]
    diff = qraw - zz
    q = zz + diff
    sse = jnp.sum(diff * diff).reshape(1, 1)
    prev = jnp.where(b == 0, jnp.zeros((1, 1), F32), loss_ref[...])
    tot = prev + sse
    loss_ref[...] = jnp.where(b == B - 1,
                              tot * (1.25 / float(N_TOK * EMB)), tot)

    @pl.when(b == 0)
    def _():
        cnt = cnt_ref[...]
        p = cnt * (1.0 / float(N_TOK))
        ent = jnp.sum(p * jnp.log(p + 1e-10))
        ppl_ref[...] = jnp.exp(-ent).reshape(1, 1)

    b1 = b1_ref[0][None, :]
    b2 = b2_ref[0][None, :]
    b3 = b3_ref[0][None, :]
    d1 = jax.nn.relu(_mm_oi(_sd(q), w1_ref[0]) + _mm_oi(q, w1_ref[1])
                     + _mm_oi(_su(q), w1_ref[2]) + b1)
    he = jax.nn.relu(_mm_io(d1, w2_ref[1]) + _mm_io(_sd(d1), w2_ref[3]) + b2)
    ho = jax.nn.relu(_mm_io(_su(d1), w2_ref[0]) + _mm_io(d1, w2_ref[2]) + b2)
    ga = _mm_io(he, w3a_ref[...])
    gb = _mm_io(ho, w3b_ref[...])
    gc = _mm_io(_sd(ho), w3s_ref[1])
    gd = _mm_io(_su(he), w3s_ref[0])
    xr_ref[0, :, 0, :] = ga[:, 0:IN_DIM] + gc + b3
    xr_ref[0, :, 1, :] = ga[:, IN_DIM:2 * IN_DIM] + gb[:, 0:IN_DIM] + b3
    xr_ref[0, :, 2, :] = ga[:, 2 * IN_DIM:] + gb[:, IN_DIM:2 * IN_DIM] + b3
    xr_ref[0, :, 3, :] = gb[:, 2 * IN_DIM:] + gd + b3


def _decode(q3, z3, cnt, d1t, db1, t2t, db2, t3a, t3b, t3s, db3):
    return pl.pallas_call(
        _dec_body,
        grid=(B,),
        in_specs=[
            pl.BlockSpec((1, T, EMB), lambda b: (b, 0, 0)),
            pl.BlockSpec((1, T, EMB), lambda b: (b, 0, 0)),
            pl.BlockSpec((64, 128), lambda b: (0, 0)),
            pl.BlockSpec((3, HID, EMB), lambda b: (0, 0, 0)),
            pl.BlockSpec((1, HID), lambda b: (0, 0)),
            pl.BlockSpec((4, HID, HID), lambda b: (0, 0, 0)),
            pl.BlockSpec((1, HID), lambda b: (0, 0)),
            pl.BlockSpec((HID, 3 * IN_DIM), lambda b: (0, 0)),
            pl.BlockSpec((HID, 3 * IN_DIM), lambda b: (0, 0)),
            pl.BlockSpec((2, HID, IN_DIM), lambda b: (0, 0, 0)),
            pl.BlockSpec((1, IN_DIM), lambda b: (0, 0)),
        ],
        out_specs=[
            pl.BlockSpec((1, T, 4, IN_DIM), lambda b: (b, 0, 0, 0)),
            pl.BlockSpec((1, 1), lambda b: (0, 0)),
            pl.BlockSpec((1, 1), lambda b: (0, 0)),
        ],
        out_shape=[
            jax.ShapeDtypeStruct((B, T, 4, IN_DIM), F32),
            jax.ShapeDtypeStruct((1, 1), F32),
            jax.ShapeDtypeStruct((1, 1), F32),
        ],
    )(q3, z3, cnt, d1t, db1, t2t, db2, t3a, t3b, t3s, db3)


def kernel(x, enc_w1, enc_b1, enc_w2, enc_b2, enc_w3, enc_b3, codebook,
           dec_w1, dec_b1, dec_w2, dec_b2, dec_w3, dec_b3):
    xp = x.transpose(0, 2, 1).reshape(B, T, 4, IN_DIM)
    w1t = enc_w1.transpose(2, 1, 0)
    w2t = enc_w2.transpose(2, 0, 1)
    w3t = enc_w3.transpose(2, 0, 1)
    d1t = dec_w1.transpose(2, 0, 1)
    t2t = dec_w2.transpose(2, 0, 1)
    u = dec_w3.transpose(2, 0, 1)
    t3a = jnp.concatenate([u[1], u[2], u[3]], axis=1)
    t3b = jnp.concatenate([u[0], u[1], u[2]], axis=1)
    t3s = jnp.stack([u[0], u[3]])

    z = _encode(xp, w1t, enc_b1[None, :], w2t, enc_b2[None, :],
                w3t, enc_b3[None, :])

    flat = z.reshape(N_TOK, EMB)
    a = jnp.sum(flat ** 2, axis=1, keepdims=True).reshape(B, T, 1)
    csq = jnp.sum(codebook ** 2, axis=1)[None, :]
    idx3, cnt = _vq_argmin(z, a, csq, codebook)

    idx = idx3.reshape(N_TOK)
    quant = _sc_gather(codebook, idx)
    counts = cnt.reshape(64, 128)

    q3 = quant.reshape(B, T, EMB)
    xr, loss2, ppl2 = _decode(q3, z, counts, d1t, dec_b1[None, :],
                              t2t, dec_b2[None, :], t3a, t3b, t3s,
                              dec_b3[None, :])
    x_recon = xr.reshape(B, L, IN_DIM).transpose(0, 2, 1)
    return (loss2.reshape(()), x_recon, ppl2.reshape(()))

# --- scband reference (transcript-rebuilt; emitter-appended) ---
"""Pipeline reference for scband-vqvae-24369644437724 (READ-ONLY COPY).

The authoritative reference and input builder live on the scoring server;
editing this copy changes nothing except your own understanding.
"""

import jax, jax.numpy as jnp
import numpy as np

B, IN_DIM, HID, EMB, K, L = 8, 128, 768, 256, 8192, 2048

def conv1d(x, w, b, stride, pad):
    out = jax.lax.conv_general_dilated(x, w, (stride,), [(pad, pad)], dimension_numbers=('NCH', 'OIH', 'NCH'))
    return out + b[None, :, None]

def convT1d(x, w, b, stride, pad):
    k = w.shape[2]
    out = jax.lax.conv_general_dilated(x, w[:, :, ::-1], (1,), [(k - 1 - pad, k - 1 - pad)], lhs_dilation=(stride,), dimension_numbers=('NCH', 'IOH', 'NCH'))
    return out + b[None, :, None]

def setup_inputs(seed: int = 0) -> dict:
    key = jax.random.key(seed)
    ks = jax.random.split(key, 16)
    x = jax.random.normal(ks[0], (B, IN_DIM, L), dtype=jnp.float32)
    s = 0.02
    enc_w1 = jax.random.normal(ks[1], (HID, IN_DIM, 4), dtype=jnp.float32) * s
    enc_b1 = jnp.zeros((HID,), dtype=jnp.float32)
    enc_w2 = jax.random.normal(ks[2], (HID, HID, 4), dtype=jnp.float32) * s
    enc_b2 = jnp.zeros((HID,), dtype=jnp.float32)
    enc_w3 = jax.random.normal(ks[3], (EMB, HID, 3), dtype=jnp.float32) * s
    enc_b3 = jnp.zeros((EMB,), dtype=jnp.float32)
    codebook = jax.random.uniform(ks[4], (K, EMB), dtype=jnp.float32, minval=-1.0 / K, maxval=1.0 / K)
    dec_w1 = jax.random.normal(ks[5], (HID, EMB, 3), dtype=jnp.float32) * s
    dec_b1 = jnp.zeros((HID,), dtype=jnp.float32)
    dec_w2 = jax.random.normal(ks[6], (HID, HID, 4), dtype=jnp.float32) * s
    dec_b2 = jnp.zeros((HID,), dtype=jnp.float32)
    dec_w3 = jax.random.normal(ks[7], (HID, IN_DIM, 4), dtype=jnp.float32) * s
    dec_b3 = jnp.zeros((IN_DIM,), dtype=jnp.float32)
    return {"x": x, "enc_w1": enc_w1, "enc_b1": enc_b1, "enc_w2": enc_w2, "enc_b2": enc_b2, "enc_w3": enc_w3, "enc_b3": enc_b3, "codebook": codebook, "dec_w1": dec_w1, "dec_b1": dec_b1, "dec_w2": dec_w2, "dec_b2": dec_b2, "dec_w3": dec_w3, "dec_b3": dec_b3}

def reference(x, enc_w1, enc_b1, enc_w2, enc_b2, enc_w3, enc_b3, codebook, dec_w1, dec_b1, dec_w2, dec_b2, dec_w3, dec_b3):
    # Encoder
    h = jax.nn.relu(conv1d(x, enc_w1, enc_b1, 2, 1))
    h = jax.nn.relu(conv1d(h, enc_w2, enc_b2, 2, 1))
    z = conv1d(h, enc_w3, enc_b3, 1, 1)  # (B, EMB, L/4)
    # Quantizer
    inputs = jnp.transpose(z, (0, 2, 1))  # (B, T, EMB)
    input_shape = inputs.shape
    flat = inputs.reshape(-1, EMB)
    distances = jnp.sum(flat ** 2, axis=1, keepdims=True) + jnp.sum(codebook ** 2, axis=1) - 2.0 * jnp.matmul(flat, codebook.T)
    encoding_indices = jnp.argmin(distances, axis=1)
    encodings = jax.nn.one_hot(encoding_indices, K, dtype=jnp.float32)
    quantized = jnp.matmul(encodings, codebook).reshape(input_shape)
    e_latent_loss = jnp.mean((jax.lax.stop_gradient(quantized) - inputs) ** 2)
    q_latent_loss = jnp.mean((quantized - jax.lax.stop_gradient(inputs)) ** 2)
    loss = q_latent_loss + 0.25 * e_latent_loss
    quantized_st = inputs + jax.lax.stop_gradient(quantized - inputs)
    avg_probs = jnp.mean(encodings, axis=0)
    perplexity = jnp.exp(-jnp.sum(avg_probs * jnp.log(avg_probs + 1e-10)))
    q = jnp.transpose(quantized_st, (0, 2, 1))  # (B, EMB, T)
    # Decoder
    d = jax.nn.relu(conv1d(q, dec_w1, dec_b1, 1, 1))
    d = jax.nn.relu(convT1d(d, dec_w2, dec_b2, 2, 1))
    x_recon = convT1d(d, dec_w3, dec_b3, 2, 1)
    return (loss, x_recon, perplexity)

if __name__ == "__main__":
    import jax
    _d = setup_inputs()
    print(jax.jit(kernel)(*tuple(_d.values())))

</pallas_src>

<mosaic_0001>
#map = affine_map<(d0, d1) -> (0, 0)>
#map1 = affine_map<(d0, d1) -> (0)>
module attributes {stable_mosaic.version = 14 : i64} {
  func.func @_sc_body(%arg0: i32, %arg1: i32, %arg2: memref<8192x256xf32, #tpu.memory_space<hbm>>, %arg3: memref<4096xi32, #tpu.memory_space<hbm>>, %arg4: memref<4096x256xf32, #tpu.memory_space<hbm>>, %arg5: memref<128xi32, #tpu.memory_space<vmem>>, %arg6: memref<128x256xf32, #tpu.memory_space<vmem>>, %arg7: memref<!tpu.dma_semaphore, #tpu.memory_space<semaphore_mem>>) attributes {dimension_semantics = [#tpu.dimension_semantics<core_parallel>, #tpu.dimension_semantics<subcore_parallel>], iteration_bounds = array<i64: 2, 16>, scalar_prefetch = 0 : i64, scratch_operands = 3 : i64, tpu.core_type = #tpu.core_type<sc_vector_subcore>, window_params = [{transform_indices = #map}, {transform_indices = #map1}, {transform_indices = #map}]} {
    %mul3A = arith.constant 2 : i32
    %mul3A_0 = arith.muli %arg1, %mul3A : i32
    %add3A = arith.addi %mul3A_0, %arg0 : i32
    %mul3A_1 = arith.constant 128 : i32
    %mul3A_2 = arith.muli %add3A, %mul3A_1 : i32
    "tpu.region"() ({
      %run_scoped3A = tpu.sem_alloc : memref<!tpu.dma_semaphore, #tpu.memory_space<semaphore_mem>>
      %dma_start3A_7 = tpu.memref_slice %arg3[%mul3A_2] : memref<4096xi32, #tpu.memory_space<hbm>> -> memref<128xi32, #tpu.memory_space<hbm>>
      %dma_start3A_8 = tpu.memref_slice %arg3[%mul3A_2] : memref<4096xi32, #tpu.memory_space<hbm>> -> memref<128xi32, #tpu.memory_space<hbm>>
      tpu.enqueue_dma source(%dma_start3A_8 : memref<128xi32, #tpu.memory_space<hbm>>) target(%arg5 : memref<128xi32, #tpu.memory_space<vmem>>) target_semaphore(%run_scoped3A : memref<!tpu.dma_semaphore, #tpu.memory_space<semaphore_mem>>)
      %dma_wait3A_9 = tpu.memref_slice %arg3[%mul3A_2] : memref<4096xi32, #tpu.memory_space<hbm>> -> memref<128xi32, #tpu.memory_space<hbm>>
      %dma_wait3A_10 = tpu.memref_slice %arg3[%mul3A_2] : memref<4096xi32, #tpu.memory_space<hbm>> -> memref<128xi32, #tpu.memory_space<hbm>>
      tpu.wait_dma2 semaphore(%run_scoped3A : memref<!tpu.dma_semaphore, #tpu.memory_space<semaphore_mem>>) src(%dma_wait3A_10 : memref<128xi32, #tpu.memory_space<hbm>>) dst(%arg5 : memref<128xi32, #tpu.memory_space<vmem>>)
      tpu.yield
    }) : () -> ()
    %dma_start3A = arith.constant 0 : i32
    %dma_start3A_3 = arith.constant 0 : i32
    %dma_start3A_4 = tpu.memref_slice %arg2[%dma_start3A, %dma_start3A_3] : memref<8192x256xf32, #tpu.memory_space<hbm>> -> memref<8192x256xf32, #tpu.memory_space<hbm>>
    tpu.enqueue_indirect_dma source(%dma_start3A_4 : memref<8192x256xf32, #tpu.memory_space<hbm>>) target(%arg6 : memref<128x256xf32, #tpu.memory_space<vmem>>) offsets(%arg5 : memref<128xi32, #tpu.memory_space<vmem>>) semaphore(%arg7 : memref<!tpu.dma_semaphore, #tpu.memory_space<semaphore_mem>>)
    %dma_wait3A = arith.constant 0 : i32
    %dma_wait3A_5 = arith.constant 0 : i32
    %dma_wait3A_6 = tpu.memref_slice %arg2[%dma_wait3A, %dma_wait3A_5] : memref<8192x256xf32, #tpu.memory_space<hbm>> -> memref<8192x256xf32, #tpu.memory_space<hbm>>
    tpu.wait_indirect_dma semaphore(%arg7 : memref<!tpu.dma_semaphore, #tpu.memory_space<semaphore_mem>>) src(%dma_wait3A_6 : memref<8192x256xf32, #tpu.memory_space<hbm>>) dst(%arg6 : memref<128x256xf32, #tpu.memory_space<vmem>>)
    "tpu.region"() ({
      %run_scoped3A = tpu.sem_alloc : memref<!tpu.dma_semaphore, #tpu.memory_space<semaphore_mem>>
      %dma_start3A_7 = arith.constant 0 : i32
      %dma_start3A_8 = tpu.memref_slice %arg4[%mul3A_2, %dma_start3A_7] : memref<4096x256xf32, #tpu.memory_space<hbm>> -> memref<128x256xf32, #tpu.memory_space<hbm>>
      %dma_start3A_9 = arith.constant 0 : i32
      %dma_start3A_10 = tpu.memref_slice %arg4[%mul3A_2, %dma_start3A_9] : memref<4096x256xf32, #tpu.memory_space<hbm>> -> memref<128x256xf32, #tpu.memory_space<hbm>>
      tpu.enqueue_dma source(%arg6 : memref<128x256xf32, #tpu.memory_space<vmem>>) target(%dma_start3A_10 : memref<128x256xf32, #tpu.memory_space<hbm>>) target_semaphore(%run_scoped3A : memref<!tpu.dma_semaphore, #tpu.memory_space<semaphore_mem>>)
      %dma_wait3A_11 = arith.constant 0 : i32
      %dma_wait3A_12 = tpu.memref_slice %arg4[%mul3A_2, %dma_wait3A_11] : memref<4096x256xf32, #tpu.memory_space<hbm>> -> memref<128x256xf32, #tpu.memory_space<hbm>>
      %dma_wait3A_13 = arith.constant 0 : i32
      %dma_wait3A_14 = tpu.memref_slice %arg4[%mul3A_2, %dma_wait3A_13] : memref<4096x256xf32, #tpu.memory_space<hbm>> -> memref<128x256xf32, #tpu.memory_space<hbm>>
      tpu.wait_dma2 semaphore(%run_scoped3A : memref<!tpu.dma_semaphore, #tpu.memory_space<semaphore_mem>>) src(%arg6 : memref<128x256xf32, #tpu.memory_space<vmem>>) dst(%dma_wait3A_14 : memref<128x256xf32, #tpu.memory_space<hbm>>)
      tpu.yield
    }) : () -> ()
    return
  }
}

module attributes {stable_mosaic.version = 14 : i64} {
  func.func @_enc_body(%arg0: i32, %arg1: memref<1x512x4x128xf32, #tpu.memory_space<vmem>>, %arg2: memref<4x128x768xf32, #tpu.memory_space<vmem>>, %arg3: memref<1x768xf32, #tpu.memory_space<vmem>>, %arg4: memref<4x768x768xf32, #tpu.memory_space<vmem>>, %arg5: memref<1x768xf32, #tpu.memory_space<vmem>>, %arg6: memref<3x256x768xf32, #tpu.memory_space<vmem>>, %arg7: memref<1x256xf32, #tpu.memory_space<vmem>>, %arg8: memref<1x512x256xf32, #tpu.memory_space<vmem>>) attributes {dimension_semantics = [#tpu.dimension_semantics<arbitrary>], iteration_bounds = array<i64: 8>, scalar_prefetch = 0 : i64, scratch_operands = 0 : i64, tpu.core_type = #tpu.core_type<tc>, window_params = [{transform_indices = @transform_0, window_bounds = array<i64: 1, 512, 4, 128>}, {pipeline_mode = #tpu.pipeline_mode<synchronous>, transform_indices = @transform_1, window_bounds = array<i64: 4, 128, 768>}, {pipeline_mode = #tpu.pipeline_mode<synchronous>, transform_indices = @transform_2, window_bounds = array<i64: 1, 768>}, {pipeline_mode = #tpu.pipeline_mode<synchronous>, transform_indices = @transform_3, window_bounds = array<i64: 4, 768, 768>}, {pipeline_mode = #tpu.pipeline_mode<synchronous>, transform_indices = @transform_4, window_bounds = array<i64: 1, 768>}, {pipeline_mode = #tpu.pipeline_mode<synchronous>, transform_indices = @transform_5, window_bounds = array<i64: 3, 256, 768>}, {pipeline_mode = #tpu.pipeline_mode<synchronous>, transform_indices = @transform_6, window_bounds = array<i64: 1, 256>}, {transform_indices = @transform_7, window_bounds = array<i64: 1, 512, 256>}]} {
    %get3A = arith.constant 0 : index
    %get3A_0 = arith.constant 0 : index
    %get3A_1 = arith.constant 0 : index
    %get3A_2 = arith.constant 0 : index
    %get3A_3 = vector.load %arg1[%get3A, %get3A_0, %get3A_1, %get3A_2] : memref<1x512x4x128xf32, #tpu.memory_space<vmem>>, vector<1x512x4x128xf32>
    %get3A_4 = vector.shape_cast %get3A_3 : vector<1x512x4x128xf32> to vector<512x4x128xf32>
    %slice3A = vector.extract_strided_slice %get3A_4 {offsets = [0, 0, 0], sizes = [512, 1, 128], strides = [1, 1, 1]} : vector<512x4x128xf32> to vector<512x1x128xf32>
    %squeeze3A = vector.shape_cast %slice3A : vector<512x1x128xf32> to vector<512x128xf32>
    %slice3A_5 = vector.extract_strided_slice %get3A_4 {offsets = [0, 1, 0], sizes = [512, 1, 128], strides = [1, 1, 1]} : vector<512x4x128xf32> to vector<512x1x128xf32>
    %squeeze3A_6 = vector.shape_cast %slice3A_5 : vector<512x1x128xf32> to vector<512x128xf32>
    %slice3A_7 = vector.extract_strided_slice %get3A_4 {offsets = [0, 2, 0], sizes = [512, 1, 128], strides = [1, 1, 1]} : vector<512x4x128xf32> to vector<512x1x128xf32>
    %squeeze3A_8 = vector.shape_cast %slice3A_7 : vector<512x1x128xf32> to vector<512x128xf32>
    %slice3A_9 = vector.extract_strided_slice %get3A_4 {offsets = [0, 3, 0], sizes = [512, 1, 128], strides = [1, 1, 1]} : vector<512x4x128xf32> to vector<512x1x128xf32>
    %squeeze3A_10 = vector.shape_cast %slice3A_9 : vector<512x1x128xf32> to vector<512x128xf32>
    %get3A_11 = arith.constant 0 : index
    %get3A_12 = arith.constant 0 : index
    %get3A_13 = vector.load %arg3[%get3A_11, %get3A_12] : memref<1x768xf32, #tpu.memory_space<vmem>>, vector<1x768xf32>
    %get3A_14 = vector.shape_cast %get3A_13 : vector<1x768xf32> to vector<768xf32>
    %broadcast_in_dim3A = vector.shape_cast %get3A_14 : vector<768xf32> to vector<1x768xf32>
    %broadcast_in_dim3A_15 = arith.constant 0.000000e+00 : f32
    %broadcast_in_dim3A_16 = vector.broadcast %broadcast_in_dim3A_15 : f32 to vector<1x128xf32>
    %slice3A_17 = vector.extract_strided_slice %squeeze3A_10 {offsets = [0, 0], sizes = [511, 128], strides = [1, 1]} : vector<512x128xf32> to vector<511x128xf32>
    %concatenate3A = tpu.concatenate %broadcast_in_dim3A_16, %slice3A_17 in 0 : vector<1x128xf32>, vector<511x128xf32> -> vector<512x128xf32>
    %concatenate3A_18 = tpu.concatenate %concatenate3A, %squeeze3A, %squeeze3A_6, %squeeze3A_8 in 1 : vector<512x128xf32>, vector<512x128xf32>, vector<512x128xf32>, vector<512x128xf32> -> vector<512x512xf32>
    %slice3A_19 = vector.extract_strided_slice %squeeze3A {offsets = [1, 0], sizes = [511, 128], strides = [1, 1]} : vector<512x128xf32> to vector<511x128xf32>
    %broadcast_in_dim3A_20 = arith.constant 0.000000e+00 : f32
    %broadcast_in_dim3A_21 = vector.broadcast %broadcast_in_dim3A_20 : f32 to vector<1x128xf32>
    %concatenate3A_22 = tpu.concatenate %slice3A_19, %broadcast_in_dim3A_21 in 0 : vector<511x128xf32>, vector<1x128xf32> -> vector<512x128xf32>
    %concatenate3A_23 = tpu.concatenate %squeeze3A_6, %squeeze3A_8, %squeeze3A_10, %concatenate3A_22 in 1 : vector<512x128xf32>, vector<512x128xf32>, vector<512x128xf32>, vector<512x128xf32> -> vector<512x512xf32>
    %get3A_24 = arith.constant 0 : index
    %get3A_25 = arith.constant 0 : index
    %get3A_26 = arith.constant 0 : index
    %get3A_27 = vector.load %arg2[%get3A_24, %get3A_25, %get3A_26] : memref<4x128x768xf32, #tpu.memory_space<vmem>>, vector<4x128x768xf32>
    %reshape3A = vector.shape_cast %get3A_27 : vector<4x128x768xf32> to vector<512x768xf32>
    %dot_general3A = arith.constant dense<0.000000e+00> : vector<512x768xf32>
    %dot_general3A_28 = tpu.matmul %concatenate3A_18, %reshape3A, %dot_general3A {dimension_numbers = #tpu.dot_dimension_numbers<[1], [0], [0], [1], [0, 0, 1, 1], [], []>, transpose_lhs_hint = false} : vector<512x512xf32>, vector<512x768xf32>, vector<512x768xf32> -> vector<512x768xf32>
    %add3A = vector.broadcast %broadcast_in_dim3A : vector<1x768xf32> to vector<512x768xf32>
    %add3A_29 = arith.addf %dot_general3A_28, %add3A : vector<512x768xf32>
    %max3A = arith.constant 0.000000e+00 : f32
    %max3A_30 = vector.broadcast %max3A : f32 to vector<512x768xf32>
    %max3A_31 = arith.maximumf %add3A_29, %max3A_30 : vector<512x768xf32>
    %dot_general3A_32 = arith.constant dense<0.000000e+00> : vector<512x768xf32>
    %dot_general3A_33 = tpu.matmul %concatenate3A_23, %reshape3A, %dot_general3A_32 {dimension_numbers = #tpu.dot_dimension_numbers<[1], [0], [0], [1], [0, 0, 1, 1], [], []>, transpose_lhs_hint = false} : vector<512x512xf32>, vector<512x768xf32>, vector<512x768xf32> -> vector<512x768xf32>
    %add3A_34 = vector.broadcast %broadcast_in_dim3A : vector<1x768xf32> to vector<512x768xf32>
    %add3A_35 = arith.addf %dot_general3A_33, %add3A_34 : vector<512x768xf32>
    %max3A_36 = arith.constant 0.000000e+00 : f32
    %max3A_37 = vector.broadcast %max3A_36 : f32 to vector<512x768xf32>
    %max3A_38 = arith.maximumf %add3A_35, %max3A_37 : vector<512x768xf32>
    %broadcast_in_dim3A_39 = arith.constant 0.000000e+00 : f32
    %broadcast_in_dim3A_40 = vector.broadcast %broadcast_in_dim3A_39 : f32 to vector<1x768xf32>
    %slice3A_41 = vector.extract_strided_slice %max3A_38 {offsets = [0, 0], sizes = [511, 768], strides = [1, 1]} : vector<512x768xf32> to vector<511x768xf32>
    %concatenate3A_42 = tpu.concatenate %broadcast_in_dim3A_40, %slice3A_41 in 0 : vector<1x768xf32>, vector<511x768xf32> -> vector<512x768xf32>
    %get3A_43 = arith.constant 0 : index
    %get3A_44 = arith.constant 0 : index
    %get3A_45 = arith.constant 0 : index
    %get3A_46 = vector.load %arg4[%get3A_43, %get3A_44, %get3A_45] : memref<4x768x768xf32, #tpu.memory_space<vmem>>, vector<1x768x768xf32>
    %get3A_47 = vector.shape_cast %get3A_46 : vector<1x768x768xf32> to vector<768x768xf32>
    %dot_general3A_48 = arith.constant dense<0.000000e+00> : vector<512x768xf32>
    %dot_general3A_49 = tpu.matmul %concatenate3A_42, %get3A_47, %dot_general3A_48 {dimension_numbers = #tpu.dot_dimension_numbers<[1], [1], [0], [0], [0, 0, 1, 0], [], []>, transpose_lhs_hint = false} : vector<512x768xf32>, vector<768x768xf32>, vector<512x768xf32> -> vector<512x768xf32>
    %get3A_50 = arith.constant 1 : index
    %get3A_51 = arith.constant 0 : index
    %get3A_52 = arith.constant 0 : index
    %get3A_53 = vector.load %arg4[%get3A_50, %get3A_51, %get3A_52] : memref<4x768x768xf32, #tpu.memory_space<vmem>>, vector<1x768x768xf32>
    %get3A_54 = vector.shape_cast %get3A_53 : vector<1x768x768xf32> to vector<768x768xf32>
    %dot_general3A_55 = arith.constant dense<0.000000e+00> : vector<512x768xf32>
    %dot_general3A_56 = tpu.matmul %max3A_31, %get3A_54, %dot_general3A_55 {dimension_numbers = #tpu.dot_dimension_numbers<[1], [1], [0], [0], [0, 0, 1, 0], [], []>, transpose_lhs_hint = false} : vector<512x768xf32>, vector<768x768xf32>, vector<512x768xf32> -> vector<512x768xf32>
    %add3A_57 = arith.addf %dot_general3A_49, %dot_general3A_56 : vector<512x768xf32>
    %get3A_58 = arith.constant 2 : index
    %get3A_59 = arith.constant 0 : index
    %get3A_60 = arith.constant 0 : index
    %get3A_61 = vector.load %arg4[%get3A_58, %get3A_59, %get3A_60] : memref<4x768x768xf32, #tpu.memory_space<vmem>>, vector<1x768x768xf32>
    %get3A_62 = vector.shape_cast %get3A_61 : vector<1x768x768xf32> to vector<768x768xf32>
    %dot_general3A_63 = arith.constant dense<0.000000e+00> : vector<512x768xf32>
    %dot_general3A_64 = tpu.matmul %max3A_38, %get3A_62, %dot_general3A_63 {dimension_numbers = #tpu.dot_dimension_numbers<[1], [1], [0], [0], [0, 0, 1, 0], [], []>, transpose_lhs_hint = false} : vector<512x768xf32>, vector<768x768xf32>, vector<512x768xf32> -> vector<512x768xf32>
    %add3A_65 = arith.addf %add3A_57, %dot_general3A_64 : vector<512x768xf32>
    %slice3A_66 = vector.extract_strided_slice %max3A_31 {offsets = [1, 0], sizes = [511, 768], strides = [1, 1]} : vector<512x768xf32> to vector<511x768xf32>
    %broadcast_in_dim3A_67 = arith.constant 0.000000e+00 : f32
    %broadcast_in_dim3A_68 = vector.broadcast %broadcast_in_dim3A_67 : f32 to vector<1x768xf32>
    %concatenate3A_69 = tpu.concatenate %slice3A_66, %broadcast_in_dim3A_68 in 0 : vector<511x768xf32>, vector<1x768xf32> -> vector<512x768xf32>
    %get3A_70 = arith.constant 3 : index
    %get3A_71 = arith.constant 0 : index
    %get3A_72 = arith.constant 0 : index
    %get3A_73 = vector.load %arg4[%get3A_70, %get3A_71, %get3A_72] : memref<4x768x768xf32, #tpu.memory_space<vmem>>, vector<1x768x768xf32>
    %get3A_74 = vector.shape_cast %get3A_73 : vector<1x768x768xf32> to vector<768x768xf32>
    %dot_general3A_75 = arith.constant dense<0.000000e+00> : vector<512x768xf32>
    %dot_general3A_76 = tpu.matmul %concatenate3A_69, %get3A_74, %dot_general3A_75 {dimension_numbers = #tpu.dot_dimension_numbers<[1], [1], [0], [0], [0, 0, 1, 0], [], []>, transpose_lhs_hint = false} : vector<512x768xf32>, vector<768x768xf32>, vector<512x768xf32> -> vector<512x768xf32>
    %add3A_77 = arith.addf %add3A_65, %dot_general3A_76 : vector<512x768xf32>
    %get3A_78 = arith.constant 0 : index
    %get3A_79 = arith.constant 0 : index
    %get3A_80 = vector.load %arg5[%get3A_78, %get3A_79] : memref<1x768xf32, #tpu.memory_space<vmem>>, vector<1x768xf32>
    %get3A_81 = vector.shape_cast %get3A_80 : vector<1x768xf32> to vector<768xf32>
    %broadcast_in_dim3A_82 = vector.shape_cast %get3A_81 : vector<768xf32> to vector<1x768xf32>
    %add3A_83 = vector.broadcast %broadcast_in_dim3A_82 : vector<1x768xf32> to vector<512x768xf32>
    %add3A_84 = arith.addf %add3A_77, %add3A_83 : vector<512x768xf32>
    %max3A_85 = arith.constant 0.000000e+00 : f32
    %max3A_86 = vector.broadcast %max3A_85 : f32 to vector<512x768xf32>
    %max3A_87 = arith.maximumf %add3A_84, %max3A_86 : vector<512x768xf32>
    %broadcast_in_dim3A_88 = arith.constant 0.000000e+00 : f32
    %broadcast_in_dim3A_89 = vector.broadcast %broadcast_in_dim3A_88 : f32 to vector<1x768xf32>
    %slice3A_90 = vector.extract_strided_slice %max3A_87 {offsets = [0, 0], sizes = [511, 768], strides = [1, 1]} : vector<512x768xf32> to vector<511x768xf32>
    %concatenate3A_91 = tpu.concatenate %broadcast_in_dim3A_89, %slice3A_90 in 0 : vector<1x768xf32>, vector<511x768xf32> -> vector<512x768xf32>
    %get3A_92 = arith.constant 0 : index
    %get3A_93 = arith.constant 0 : index
    %get3A_94 = arith.constant 0 : index
    %get3A_95 = vector.load %arg6[%get3A_92, %get3A_93, %get3A_94] : memref<3x256x768xf32, #tpu.memory_space<vmem>>, vector<1x256x768xf32>
    %get3A_96 = vector.shape_cast %get3A_95 : vector<1x256x768xf32> to vector<256x768xf32>
    %dot_general3A_97 = arith.constant dense<0.000000e+00> : vector<512x256xf32>
    %dot_general3A_98 = tpu.matmul %concatenate3A_91, %get3A_96, %dot_general3A_97 {dimension_numbers = #tpu.dot_dimension_numbers<[1], [1], [0], [0], [0, 0, 1, 0], [], []>, transpose_lhs_hint = false} : vector<512x768xf32>, vector<256x768xf32>, vector<512x256xf32> -> vector<512x256xf32>
    %get3A_99 = arith.constant 1 : index
    %get3A_100 = arith.constant 0 : index
    %get3A_101 = arith.constant 0 : index
    %get3A_102 = vector.load %arg6[%get3A_99, %get3A_100, %get3A_101] : memref<3x256x768xf32, #tpu.memory_space<vmem>>, vector<1x256x768xf32>
    %get3A_103 = vector.shape_cast %get3A_102 : vector<1x256x768xf32> to vector<256x768xf32>
    %dot_general3A_104 = arith.constant dense<0.000000e+00> : vector<512x256xf32>
    %dot_general3A_105 = tpu.matmul %max3A_87, %get3A_103, %dot_general3A_104 {dimension_numbers = #tpu.dot_dimension_numbers<[1], [1], [0], [0], [0, 0, 1, 0], [], []>, transpose_lhs_hint = false} : vector<512x768xf32>, vector<256x768xf32>, vector<512x256xf32> -> vector<512x256xf32>
    %add3A_106 = arith.addf %dot_general3A_98, %dot_general3A_105 : vector<512x256xf32>
    %slice3A_107 = vector.extract_strided_slice %max3A_87 {offsets = [1, 0], sizes = [511, 768], strides = [1, 1]} : vector<512x768xf32> to vector<511x768xf32>
    %broadcast_in_dim3A_108 = arith.constant 0.000000e+00 : f32
    %broadcast_in_dim3A_109 = vector.broadcast %broadcast_in_dim3A_108 : f32 to vector<1x768xf32>
    %concatenate3A_110 = tpu.concatenate %slice3A_107, %broadcast_in_dim3A_109 in 0 : vector<511x768xf32>, vector<1x768xf32> -> vector<512x768xf32>
    %get3A_111 = arith.constant 2 : index
    %get3A_112 = arith.constant 0 : index
    %get3A_113 = arith.constant 0 : index
    %get3A_114 = vector.load %arg6[%get3A_111, %get3A_112, %get3A_113] : memref<3x256x768xf32, #tpu.memory_space<vmem>>, vector<1x256x768xf32>
    %get3A_115 = vector.shape_cast %get3A_114 : vector<1x256x768xf32> to vector<256x768xf32>
    %dot_general3A_116 = arith.constant dense<0.000000e+00> : vector<512x256xf32>
    %dot_general3A_117 = tpu.matmul %concatenate3A_110, %get3A_115, %dot_general3A_116 {dimension_numbers = #tpu.dot_dimension_numbers<[1], [1], [0], [0], [0, 0, 1, 0], [], []>, transpose_lhs_hint = false} : vector<512x768xf32>, vector<256x768xf32>, vector<512x256xf32> -> vector<512x256xf32>
    %add3A_118 = arith.addf %add3A_106, %dot_general3A_117 : vector<512x256xf32>
    %get3A_119 = arith.constant 0 : index
    %get3A_120 = arith.constant 0 : index
    %get3A_121 = vector.load %arg7[%get3A_119, %get3A_120] : memref<1x256xf32, #tpu.memory_space<vmem>>, vector<1x256xf32>
    %get3A_122 = vector.shape_cast %get3A_121 : vector<1x256xf32> to vector<256xf32>
    %broadcast_in_dim3A_123 = vector.shape_cast %get3A_122 : vector<256xf32> to vector<1x256xf32>
    %add3A_124 = vector.broadcast %broadcast_in_dim3A_123 : vector<1x256xf32> to vector<512x256xf32>
    %add3A_125 = arith.addf %add3A_118, %add3A_124 : vector<512x256xf32>
    %swap3A = arith.constant 0 : index
    %swap3A_126 = arith.constant 0 : index
    %swap3A_127 = arith.constant 0 : index
    %swap3A_128 = vector.load %arg8[%swap3A, %swap3A_126, %swap3A_127] : memref<1x512x256xf32, #tpu.memory_space<vmem>>, vector<1x512x256xf32>
    %swap3A_129 = vector.shape_cast %swap3A_128 : vector<1x512x256xf32> to vector<512x256xf32>
    %swap3A_130 = vector.shape_cast %add3A_125 : vector<512x256xf32> to vector<1x512x256xf32>
    tpu.vector_store %arg8[%swap3A, %swap3A_126, %swap3A_127], %swap3A_130 {strides = array<i32>} : memref<1x512x256xf32, #tpu.memory_space<vmem>>, vector<1x512x256xf32>,
    return
  }
  func.func @transform_0(%arg0: i32) -> (i32, i32, i32, i32) {
    %c0_i32 = arith.constant 0 : i32
    %c0_i32_0 = arith.constant 0 : i32
    %c0_i32_1 = arith.constant 0 : i32
    %c0_i32_2 = arith.constant 0 : i32
    return %arg0, %c0_i32, %c0_i32_0, %c0_i32_1 : i32, i32, i32, i32
  }
  func.func @transform_1(%arg0: i32) -> (i32, i32, i32) {
    %c0_i32 = arith.constant 0 : i32
    %c0_i32_0 = arith.constant 0 : i32
    %c0_i32_1 = arith.constant 0 : i32
    %c0_i32_2 = arith.constant 0 : i32
    return %c0_i32, %c0_i32_0, %c0_i32_1 : i32, i32, i32
  }
  func.func @transform_2(%arg0: i32) -> (i32, i32) {
    %c0_i32 = arith.constant 0 : i32
    %c0_i32_0 = arith.constant 0 : i32
    %c0_i32_1 = arith.constant 0 : i32
    return %c0_i32, %c0_i32_0 : i32, i32
  }
  func.func @transform_3(%arg0: i32) -> (i32, i32, i32) {
    %c0_i32 = arith.constant 0 : i32
    %c0_i32_0 = arith.constant 0 : i32
    %c0_i32_1 = arith.constant 0 : i32
    %c0_i32_2 = arith.constant 0 : i32
    return %c0_i32, %c0_i32_0, %c0_i32_1 : i32, i32, i32
  }
  func.func @transform_4(%arg0: i32) -> (i32, i32) {
    %c0_i32 = arith.constant 0 : i32
    %c0_i32_0 = arith.constant 0 : i32
    %c0_i32_1 = arith.constant 0 : i32
    return %c0_i32, %c0_i32_0 : i32, i32
  }
  func.func @transform_5(%arg0: i32) -> (i32, i32, i32) {
    %c0_i32 = arith.constant 0 : i32
    %c0_i32_0 = arith.constant 0 : i32
    %c0_i32_1 = arith.constant 0 : i32
    %c0_i32_2 = arith.constant 0 : i32
    return %c0_i32, %c0_i32_0, %c0_i32_1 : i32, i32, i32
  }
  func.func @transform_6(%arg0: i32) -> (i32, i32) {
    %c0_i32 = arith.constant 0 : i32
    %c0_i32_0 = arith.constant 0 : i32
    %c0_i32_1 = arith.constant 0 : i32
    return %c0_i32, %c0_i32_0 : i32, i32
  }
  func.func @transform_7(%arg0: i32) -> (i32, i32, i32) {
    %c0_i32 = arith.constant 0 : i32
    %c0_i32_0 = arith.constant 0 : i32
    %c0_i32_1 = arith.constant 0 : i32
    return %arg0, %c0_i32, %c0_i32_0 : i32, i32, i32
  }
}

module attributes {stable_mosaic.version = 14 : i64} {
  func.func @_vq_body(%arg0: i32, %arg1: memref<1x512x256xf32, #tpu.memory_space<vmem>>, %arg2: memref<1x512x1xf32, #tpu.memory_space<vmem>>, %arg3: memref<1x8192xf32, #tpu.memory_space<vmem>>, %arg4: memref<8192x256xf32, #tpu.memory_space<vmem>>, %arg5: memref<1x512x1xi32, #tpu.memory_space<vmem>>, %arg6: memref<1x8192xf32, #tpu.memory_space<vmem>>) attributes {dimension_semantics = [#tpu.dimension_semantics<arbitrary>], iteration_bounds = array<i64: 8>, scalar_prefetch = 0 : i64, scratch_operands = 0 : i64, tpu.core_type = #tpu.core_type<tc>, window_params = [{transform_indices = @transform_0, window_bounds = array<i64: 1, 512, 256>}, {transform_indices = @transform_1, window_bounds = array<i64: 1, 512, 1>}, {pipeline_mode = #tpu.pipeline_mode<synchronous>, transform_indices = @transform_2, window_bounds = array<i64: 1, 8192>}, {pipeline_mode = #tpu.pipeline_mode<synchronous>, transform_indices = @transform_3, window_bounds = array<i64: 8192, 256>}, {transform_indices = @transform_4, window_bounds = array<i64: 1, 512, 1>}, {pipeline_mode = #tpu.pipeline_mode<synchronous>, transform_indices = @transform_5, window_bounds = array<i64: 1, 8192>}]} {
    %get3A = arith.constant 0 : index
    %get3A_0 = arith.constant 0 : index
    %get3A_1 = arith.constant 0 : index
    %get3A_2 = vector.load %arg1[%get3A, %get3A_0, %get3A_1] : memref<1x512x256xf32, #tpu.memory_space<vmem>>, vector<1x512x256xf32>
    %get3A_3 = vector.shape_cast %get3A_2 : vector<1x512x256xf32> to vector<512x256xf32>
    %get3A_4 = arith.constant 0 : index
    %get3A_5 = arith.constant 0 : index
    %get3A_6 = arith.constant 0 : index
    %get3A_7 = vector.load %arg2[%get3A_4, %get3A_5, %get3A_6] : memref<1x512x1xf32, #tpu.memory_space<vmem>>, vector<1x512x1xf32>
    %get3A_8 = vector.shape_cast %get3A_7 : vector<1x512x1xf32> to vector<512x1xf32>
    %broadcast_in_dim3A = arith.constant 0x7F800000 : f32
    %broadcast_in_dim3A_9 = vector.broadcast %broadcast_in_dim3A : f32 to vector<512x1xf32>
    %broadcast_in_dim3A_10 = arith.constant 0 : i32
    %broadcast_in_dim3A_11 = vector.broadcast %broadcast_in_dim3A_10 : i32 to vector<512x1xi32>
    %get3A_12 = arith.constant 0 : index
    %get3A_13 = arith.constant 0 : index
    %get3A_14 = vector.load %arg4[%get3A_12, %get3A_13] : memref<8192x256xf32, #tpu.memory_space<vmem>>, vector<2048x256xf32>
    %dot_general3A = arith.constant dense<0.000000e+00> : vector<512x2048xf32>
    %dot_general3A_15 = tpu.matmul %get3A_3, %get3A_14, %dot_general3A {dimension_numbers = #tpu.dot_dimension_numbers<[1], [1], [0], [0], [0, 0, 1, 0], [], []>, transpose_lhs_hint = false} : vector<512x256xf32>, vector<2048x256xf32>, vector<512x2048xf32> -> vector<512x2048xf32>
    %get3A_16 = arith.constant 0 : index
    %get3A_17 = arith.constant 0 : index
    %get3A_18 = vector.load %arg3[%get3A_16, %get3A_17] : memref<1x8192xf32, #tpu.memory_space<vmem>>, vector<1x2048xf32>
    %get3A_19 = vector.shape_cast %get3A_18 : vector<1x2048xf32> to vector<2048xf32>
    %broadcast_in_dim3A_20 = vector.shape_cast %get3A_19 : vector<2048xf32> to vector<1x2048xf32>
    %add3A = vector.broadcast %get3A_8 : vector<512x1xf32> to vector<512x2048xf32>
    %add3A_21 = vector.broadcast %broadcast_in_dim3A_20 : vector<1x2048xf32> to vector<512x2048xf32>
    %add3A_22 = arith.addf %add3A, %add3A_21 : vector<512x2048xf32>
    %mul3A = arith.constant 2.000000e+00 : f32
    %mul3A_23 = vector.broadcast %mul3A : f32 to vector<512x2048xf32>
    %mul3A_24 = arith.mulf %mul3A_23, %dot_general3A_15 : vector<512x2048xf32>
    %sub3A = arith.subf %add3A_22, %mul3A_24 : vector<512x2048xf32>
    %reduce_min3A = arith.constant dense<0x7F800000> : vector<512xf32>
    %reduce_min3A_25 = vector.multi_reduction <minimumf>, %sub3A, %reduce_min3A [1] : vector<512x2048xf32> to vector<512xf32>
    %broadcast_in_dim3A_26 = vector.shape_cast %reduce_min3A_25 : vector<512xf32> to vector<512x1xf32>
    %iota3A = tpu.iota {dimensions = array<i32: 1>} : vector<512x2048xi32>
    %eq3A = vector.broadcast %broadcast_in_dim3A_26 : vector<512x1xf32> to vector<512x2048xf32>
    %eq3A_27 = arith.cmpf oeq, %sub3A, %eq3A : vector<512x2048xf32>
    %jit3A = arith.constant 8192 : i32
    %broadcast_in_dim3A_28 = vector.broadcast %jit3A : i32 to vector<512x2048xi32>
    %select_n3A = arith.select %eq3A_27, %iota3A, %broadcast_in_dim3A_28 : vector<512x2048xi1>, vector<512x2048xi32>
    %reduce_min3A_29 = arith.constant dense<2147483647> : vector<512xi32>
    %reduce_min3A_30 = vector.multi_reduction <minsi>, %select_n3A, %reduce_min3A_29 [1] : vector<512x2048xi32> to vector<512xi32>
    %broadcast_in_dim3A_31 = vector.shape_cast %reduce_min3A_30 : vector<512xi32> to vector<512x1xi32>
    %add3A_32 = arith.constant 0 : i32
    %add3A_33 = vector.broadcast %add3A_32 : i32 to vector<512x1xi32>
    %add3A_34 = arith.addi %broadcast_in_dim3A_31, %add3A_33 : vector<512x1xi32>
    %lt3A = arith.cmpf olt, %broadcast_in_dim3A_26, %broadcast_in_dim3A_9 : vector<512x1xf32>
    %select_n3A_35 = arith.select %lt3A, %add3A_34, %broadcast_in_dim3A_11 : vector<512x1xi1>, vector<512x1xi32>
    %select_n3A_36 = arith.select %lt3A, %broadcast_in_dim3A_26, %broadcast_in_dim3A_9 : vector<512x1xi1>, vector<512x1xf32>
    %get3A_37 = arith.constant 2048 : index
    %get3A_38 = arith.constant 0 : index
    %get3A_39 = vector.load %arg4[%get3A_37, %get3A_38] : memref<8192x256xf32, #tpu.memory_space<vmem>>, vector<2048x256xf32>
    %dot_general3A_40 = arith.constant dense<0.000000e+00> : vector<512x2048xf32>
    %dot_general3A_41 = tpu.matmul %get3A_3, %get3A_39, %dot_general3A_40 {dimension_numbers = #tpu.dot_dimension_numbers<[1], [1], [0], [0], [0, 0, 1, 0], [], []>, transpose_lhs_hint = false} : vector<512x256xf32>, vector<2048x256xf32>, vector<512x2048xf32> -> vector<512x2048xf32>
    %get3A_42 = arith.constant 0 : index
    %get3A_43 = arith.constant 2048 : index
    %get3A_44 = vector.load %arg3[%get3A_42, %get3A_43] : memref<1x8192xf32, #tpu.memory_space<vmem>>, vector<1x2048xf32>
    %get3A_45 = vector.shape_cast %get3A_44 : vector<1x2048xf32> to vector<2048xf32>
    %broadcast_in_dim3A_46 = vector.shape_cast %get3A_45 : vector<2048xf32> to vector<1x2048xf32>
    %add3A_47 = vector.broadcast %get3A_8 : vector<512x1xf32> to vector<512x2048xf32>
    %add3A_48 = vector.broadcast %broadcast_in_dim3A_46 : vector<1x2048xf32> to vector<512x2048xf32>
    %add3A_49 = arith.addf %add3A_47, %add3A_48 : vector<512x2048xf32>
    %mul3A_50 = arith.constant 2.000000e+00 : f32
    %mul3A_51 = vector.broadcast %mul3A_50 : f32 to vector<512x2048xf32>
    %mul3A_52 = arith.mulf %mul3A_51, %dot_general3A_41 : vector<512x2048xf32>
    %sub3A_53 = arith.subf %add3A_49, %mul3A_52 : vector<512x2048xf32>
    %reduce_min3A_54 = arith.constant dense<0x7F800000> : vector<512xf32>
    %reduce_min3A_55 = vector.multi_reduction <minimumf>, %sub3A_53, %reduce_min3A_54 [1] : vector<512x2048xf32> to vector<512xf32>
    %broadcast_in_dim3A_56 = vector.shape_cast %reduce_min3A_55 : vector<512xf32> to vector<512x1xf32>
    %iota3A_57 = tpu.iota {dimensions = array<i32: 1>} : vector<512x2048xi32>
    %eq3A_58 = vector.broadcast %broadcast_in_dim3A_56 : vector<512x1xf32> to vector<512x2048xf32>
    %eq3A_59 = arith.cmpf oeq, %sub3A_53, %eq3A_58 : vector<512x2048xf32>
    %jit3A_60 = arith.constant 8192 : i32
    %broadcast_in_dim3A_61 = vector.broadcast %jit3A_60 : i32 to vector<512x2048xi32>
    %select_n3A_62 = arith.select %eq3A_59, %iota3A_57, %broadcast_in_dim3A_61 : vector<512x2048xi1>, vector<512x2048xi32>
    %reduce_min3A_63 = arith.constant dense<2147483647> : vector<512xi32>
    %reduce_min3A_64 = vector.multi_reduction <minsi>, %select_n3A_62, %reduce_min3A_63 [1] : vector<512x2048xi32> to vector<512xi32>
    %broadcast_in_dim3A_65 = vector.shape_cast %reduce_min3A_64 : vector<512xi32> to vector<512x1xi32>
    %add3A_66 = arith.constant 2048 : i32
    %add3A_67 = vector.broadcast %add3A_66 : i32 to vector<512x1xi32>
    %add3A_68 = arith.addi %broadcast_in_dim3A_65, %add3A_67 : vector<512x1xi32>
    %lt3A_69 = arith.cmpf olt, %broadcast_in_dim3A_56, %select_n3A_36 : vector<512x1xf32>
    %select_n3A_70 = arith.select %lt3A_69, %add3A_68, %select_n3A_35 : vector<512x1xi1>, vector<512x1xi32>
    %select_n3A_71 = arith.select %lt3A_69, %broadcast_in_dim3A_56, %select_n3A_36 : vector<512x1xi1>, vector<512x1xf32>
    %get3A_72 = arith.constant 4096 : index
    %get3A_73 = arith.constant 0 : index
    %get3A_74 = vector.load %arg4[%get3A_72, %get3A_73] : memref<8192x256xf32, #tpu.memory_space<vmem>>, vector<2048x256xf32>
    %dot_general3A_75 = arith.constant dense<0.000000e+00> : vector<512x2048xf32>
    %dot_general3A_76 = tpu.matmul %get3A_3, %get3A_74, %dot_general3A_75 {dimension_numbers = #tpu.dot_dimension_numbers<[1], [1], [0], [0], [0, 0, 1, 0], [], []>, transpose_lhs_hint = false} : vector<512x256xf32>, vector<2048x256xf32>, vector<512x2048xf32> -> vector<512x2048xf32>
    %get3A_77 = arith.constant 0 : index
    %get3A_78 = arith.constant 4096 : index
    %get3A_79 = vector.load %arg3[%get3A_77, %get3A_78] : memref<1x8192xf32, #tpu.memory_space<vmem>>, vector<1x2048xf32>
    %get3A_80 = vector.shape_cast %get3A_79 : vector<1x2048xf32> to vector<2048xf32>
    %broadcast_in_dim3A_81 = vector.shape_cast %get3A_80 : vector<2048xf32> to vector<1x2048xf32>
    %add3A_82 = vector.broadcast %get3A_8 : vector<512x1xf32> to vector<512x2048xf32>
    %add3A_83 = vector.broadcast %broadcast_in_dim3A_81 : vector<1x2048xf32> to vector<512x2048xf32>
    %add3A_84 = arith.addf %add3A_82, %add3A_83 : vector<512x2048xf32>
    %mul3A_85 = arith.constant 2.000000e+00 : f32
    %mul3A_86 = vector.broadcast %mul3A_85 : f32 to vector<512x2048xf32>
    %mul3A_87 = arith.mulf %mul3A_86, %dot_general3A_76 : vector<512x2048xf32>
    %sub3A_88 = arith.subf %add3A_84, %mul3A_87 : vector<512x2048xf32>
    %reduce_min3A_89 = arith.constant dense<0x7F800000> : vector<512xf32>
    %reduce_min3A_90 = vector.multi_reduction <minimumf>, %sub3A_88, %reduce_min3A_89 [1] : vector<512x2048xf32> to vector<512xf32>
    %broadcast_in_dim3A_91 = vector.shape_cast %reduce_min3A_90 : vector<512xf32> to vector<512x1xf32>
    %iota3A_92 = tpu.iota {dimensions = array<i32: 1>} : vector<512x2048xi32>
    %eq3A_93 = vector.broadcast %broadcast_in_dim3A_91 : vector<512x1xf32> to vector<512x2048xf32>
    %eq3A_94 = arith.cmpf oeq, %sub3A_88, %eq3A_93 : vector<512x2048xf32>
    %jit3A_95 = arith.constant 8192 : i32
    %broadcast_in_dim3A_96 = vector.broadcast %jit3A_95 : i32 to vector<512x2048xi32>
    %select_n3A_97 = arith.select %eq3A_94, %iota3A_92, %broadcast_in_dim3A_96 : vector<512x2048xi1>, vector<512x2048xi32>
    %reduce_min3A_98 = arith.constant dense<2147483647> : vector<512xi32>
    %reduce_min3A_99 = vector.multi_reduction <minsi>, %select_n3A_97, %reduce_min3A_98 [1] : vector<512x2048xi32> to vector<512xi32>
    %broadcast_in_dim3A_100 = vector.shape_cast %reduce_min3A_99 : vector<512xi32> to vector<512x1xi32>
    %add3A_101 = arith.constant 4096 : i32
    %add3A_102 = vector.broadcast %add3A_101 : i32 to vector<512x1xi32>
    %add3A_103 = arith.addi %broadcast_in_dim3A_100, %add3A_102 : vector<512x1xi32>
    %lt3A_104 = arith.cmpf olt, %broadcast_in_dim3A_91, %select_n3A_71 : vector<512x1xf32>
    %select_n3A_105 = arith.select %lt3A_104, %add3A_103, %select_n3A_70 : vector<512x1xi1>, vector<512x1xi32>
    %select_n3A_106 = arith.select %lt3A_104, %broadcast_in_dim3A_91, %select_n3A_71 : vector<512x1xi1>, vector<512x1xf32>
    %get3A_107 = arith.constant 6144 : index
    %get3A_108 = arith.constant 0 : index
    %get3A_109 = vector.load %arg4[%get3A_107, %get3A_108] : memref<8192x256xf32, #tpu.memory_space<vmem>>, vector<2048x256xf32>
    %dot_general3A_110 = arith.constant dense<0.000000e+00> : vector<512x2048xf32>
    %dot_general3A_111 = tpu.matmul %get3A_3, %get3A_109, %dot_general3A_110 {dimension_numbers = #tpu.dot_dimension_numbers<[1], [1], [0], [0], [0, 0, 1, 0], [], []>, transpose_lhs_hint = false} : vector<512x256xf32>, vector<2048x256xf32>, vector<512x2048xf32> -> vector<512x2048xf32>
    %get3A_112 = arith.constant 0 : index
    %get3A_113 = arith.constant 6144 : index
    %get3A_114 = vector.load %arg3[%get3A_112, %get3A_113] : memref<1x8192xf32, #tpu.memory_space<vmem>>, vector<1x2048xf32>
    %get3A_115 = vector.shape_cast %get3A_114 : vector<1x2048xf32> to vector<2048xf32>
    %broadcast_in_dim3A_116 = vector.shape_cast %get3A_115 : vector<2048xf32> to vector<1x2048xf32>
    %add3A_117 = vector.broadcast %get3A_8 : vector<512x1xf32> to vector<512x2048xf32>
    %add3A_118 = vector.broadcast %broadcast_in_dim3A_116 : vector<1x2048xf32> to vector<512x2048xf32>
    %add3A_119 = arith.addf %add3A_117, %add3A_118 : vector<512x2048xf32>
    %mul3A_120 = arith.constant 2.000000e+00 : f32
    %mul3A_121 = vector.broadcast %mul3A_120 : f32 to vector<512x2048xf32>
    %mul3A_122 = arith.mulf %mul3A_121, %dot_general3A_111 : vector<512x2048xf32>
    %sub3A_123 = arith.subf %add3A_119, %mul3A_122 : vector<512x2048xf32>
    %reduce_min3A_124 = arith.constant dense<0x7F800000> : vector<512xf32>
    %reduce_min3A_125 = vector.multi_reduction <minimumf>, %sub3A_123, %reduce_min3A_124 [1] : vector<512x2048xf32> to vector<512xf32>
    %broadcast_in_dim3A_126 = vector.shape_cast %reduce_min3A_125 : vector<512xf32> to vector<512x1xf32>
    %iota3A_127 = tpu.iota {dimensions = array<i32: 1>} : vector<512x2048xi32>
    %eq3A_128 = vector.broadcast %broadcast_in_dim3A_126 : vector<512x1xf32> to vector<512x2048xf32>
    %eq3A_129 = arith.cmpf oeq, %sub3A_123, %eq3A_128 : vector<512x2048xf32>
    %jit3A_130 = arith.constant 8192 : i32
    %broadcast_in_dim3A_131 = vector.broadcast %jit3A_130 : i32 to vector<512x2048xi32>
    %select_n3A_132 = arith.select %eq3A_129, %iota3A_127, %broadcast_in_dim3A_131 : vector<512x2048xi1>, vector<512x2048xi32>
    %reduce_min3A_133 = arith.constant dense<2147483647> : vector<512xi32>
    %reduce_min3A_134 = vector.multi_reduction <minsi>, %select_n3A_132, %reduce_min3A_133 [1] : vector<512x2048xi32> to vector<512xi32>
    %broadcast_in_dim3A_135 = vector.shape_cast %reduce_min3A_134 : vector<512xi32> to vector<512x1xi32>
    %add3A_136 = arith.constant 6144 : i32
    %add3A_137 = vector.broadcast %add3A_136 : i32 to vector<512x1xi32>
    %add3A_138 = arith.addi %broadcast_in_dim3A_135, %add3A_137 : vector<512x1xi32>
    %lt3A_139 = arith.cmpf olt, %broadcast_in_dim3A_126, %select_n3A_106 : vector<512x1xf32>
    %select_n3A_140 = arith.select %lt3A_139, %add3A_138, %select_n3A_105 : vector<512x1xi1>, vector<512x1xi32>
    %swap3A = arith.constant 0 : index
    %swap3A_141 = arith.constant 0 : index
    %swap3A_142 = arith.constant 0 : index
    %swap3A_143 = vector.load %arg5[%swap3A, %swap3A_141, %swap3A_142] : memref<1x512x1xi32, #tpu.memory_space<vmem>>, vector<1x512x1xi32>
    %swap3A_144 = vector.shape_cast %swap3A_143 : vector<1x512x1xi32> to vector<512x1xi32>
    %swap3A_145 = vector.shape_cast %select_n3A_140 : vector<512x1xi32> to vector<1x512x1xi32>
    tpu.vector_store %arg5[%swap3A, %swap3A_141, %swap3A_142], %swap3A_145 {strides = array<i32>} : memref<1x512x1xi32, #tpu.memory_space<vmem>>, vector<1x512x1xi32>,
    %iota3A_146 = tpu.iota {dimensions = array<i32: 1>} : vector<512x1024xi32>
    %add3A_147 = arith.constant 0 : i32
    %add3A_148 = vector.broadcast %add3A_147 : i32 to vector<512x1024xi32>
    %add3A_149 = arith.addi %iota3A_146, %add3A_148 : vector<512x1024xi32>
    %eq3A_150 = vector.broadcast %select_n3A_140 : vector<512x1xi32> to vector<512x1024xi32>
    %eq3A_151 = arith.cmpi eq, %eq3A_150, %add3A_149 : vector<512x1024xi32>
    %convert_element_type3A = arith.extui %eq3A_151 : vector<512x1024xi1> to vector<512x1024xi32>
    %convert_element_type3A_152 = arith.sitofp %convert_element_type3A : vector<512x1024xi32> to vector<512x1024xf32>
    %reduce_sum3A = arith.constant dense<0.000000e+00> : vector<1024xf32>
    %reduce_sum3A_153 = vector.multi_reduction <add>, %convert_element_type3A_152, %reduce_sum3A [0] : vector<512x1024xf32> to vector<1024xf32>
    %eq3A_154 = arith.constant 0 : i32
    %eq3A_155 = arith.cmpi eq, %arg0, %eq3A_154 : i32
    %get3A_156 = arith.constant 0 : index
    %get3A_157 = arith.constant 0 : index
    %get3A_158 = vector.load %arg6[%get3A_156, %get3A_157] : memref<1x8192xf32, #tpu.memory_space<vmem>>, vector<1x1024xf32>
    %get3A_159 = vector.shape_cast %get3A_158 : vector<1x1024xf32> to vector<1024xf32>
    %add3A_160 = arith.addf %get3A_159, %reduce_sum3A_153 : vector<1024xf32>
    %select_n3A_161 = arith.select %eq3A_155, %reduce_sum3A_153, %add3A_160 : vector<1024xf32>
    %swap3A_162 = arith.constant 0 : index
    %swap3A_163 = arith.constant 0 : index
    %swap3A_164 = vector.load %arg6[%swap3A_162, %swap3A_163] : memref<1x8192xf32, #tpu.memory_space<vmem>>, vector<1x1024xf32>
    %swap3A_165 = vector.shape_cast %swap3A_164 : vector<1x1024xf32> to vector<1024xf32>
    %swap3A_166 = vector.shape_cast %select_n3A_161 : vector<1024xf32> to vector<1x1024xf32>
    tpu.vector_store %arg6[%swap3A_162, %swap3A_163], %swap3A_166 {strides = array<i32>} : memref<1x8192xf32, #tpu.memory_space<vmem>>, vector<1x1024xf32>,
    %iota3A_167 = tpu.iota {dimensions = array<i32: 1>} : vector<512x1024xi32>
    %add3A_168 = arith.constant 1024 : i32
    %add3A_169 = vector.broadcast %add3A_168 : i32 to vector<512x1024xi32>
    %add3A_170 = arith.addi %iota3A_167, %add3A_169 : vector<512x1024xi32>
    %eq3A_171 = vector.broadcast %select_n3A_140 : vector<512x1xi32> to vector<512x1024xi32>
    %eq3A_172 = arith.cmpi eq, %eq3A_171, %add3A_170 : vector<512x1024xi32>
    %convert_element_type3A_173 = arith.extui %eq3A_172 : vector<512x1024xi1> to vector<512x1024xi32>
    %convert_element_type3A_174 = arith.sitofp %convert_element_type3A_173 : vector<512x1024xi32> to vector<512x1024xf32>
    %reduce_sum3A_175 = arith.constant dense<0.000000e+00> : vector<1024xf32>
    %reduce_sum3A_176 = vector.multi_reduction <add>, %convert_element_type3A_174, %reduce_sum3A_175 [0] : vector<512x1024xf32> to vector<1024xf32>
    %eq3A_177 = arith.constant 0 : i32
    %eq3A_178 = arith.cmpi eq, %arg0, %eq3A_177 : i32
    %get3A_179 = arith.constant 0 : index
    %get3A_180 = arith.constant 1024 : index
    %get3A_181 = vector.load %arg6[%get3A_179, %get3A_180] : memref<1x8192xf32, #tpu.memory_space<vmem>>, vector<1x1024xf32>
    %get3A_182 = vector.shape_cast %get3A_181 : vector<1x1024xf32> to vector<1024xf32>
    %add3A_183 = arith.addf %get3A_182, %reduce_sum3A_176 : vector<1024xf32>
    %select_n3A_184 = arith.select %eq3A_178, %reduce_sum3A_176, %add3A_183 : vector<1024xf32>
    %swap3A_185 = arith.constant 0 : index
    %swap3A_186 = arith.constant 1024 : index
    %swap3A_187 = vector.load %arg6[%swap3A_185, %swap3A_186] : memref<1x8192xf32, #tpu.memory_space<vmem>>, vector<1x1024xf32>
    %swap3A_188 = vector.shape_cast %swap3A_187 : vector<1x1024xf32> to vector<1024xf32>
    %swap3A_189 = vector.shape_cast %select_n3A_184 : vector<1024xf32> to vector<1x1024xf32>
    tpu.vector_store %arg6[%swap3A_185, %swap3A_186], %swap3A_189 {strides = array<i32>} : memref<1x8192xf32, #tpu.memory_space<vmem>>, vector<1x1024xf32>,
    %iota3A_190 = tpu.iota {dimensions = array<i32: 1>} : vector<512x1024xi32>
    %add3A_191 = arith.constant 2048 : i32
    %add3A_192 = vector.broadcast %add3A_191 : i32 to vector<512x1024xi32>
    %add3A_193 = arith.addi %iota3A_190, %add3A_192 : vector<512x1024xi32>
    %eq3A_194 = vector.broadcast %select_n3A_140 : vector<512x1xi32> to vector<512x1024xi32>
    %eq3A_195 = arith.cmpi eq, %eq3A_194, %add3A_193 : vector<512x1024xi32>
    %convert_element_type3A_196 = arith.extui %eq3A_195 : vector<512x1024xi1> to vector<512x1024xi32>
    %convert_element_type3A_197 = arith.sitofp %convert_element_type3A_196 : vector<512x1024xi32> to vector<512x1024xf32>
    %reduce_sum3A_198 = arith.constant dense<0.000000e+00> : vector<1024xf32>
    %reduce_sum3A_199 = vector.multi_reduction <add>, %convert_element_type3A_197, %reduce_sum3A_198 [0] : vector<512x1024xf32> to vector<1024xf32>
    %eq3A_200 = arith.constant 0 : i32
    %eq3A_201 = arith.cmpi eq, %arg0, %eq3A_200 : i32
    %get3A_202 = arith.constant 0 : index
    %get3A_203 = arith.constant 2048 : index
    %get3A_204 = vector.load %arg6[%get3A_202, %get3A_203] : memref<1x8192xf32, #tpu.memory_space<vmem>>, vector<1x1024xf32>
    %get3A_205 = vector.shape_cast %get3A_204 : vector<1x1024xf32> to vector<1024xf32>
    %add3A_206 = arith.addf %get3A_205, %reduce_sum3A_199 : vector<1024xf32>
    %select_n3A_207 = arith.select %eq3A_201, %reduce_sum3A_199, %add3A_206 : vector<1024xf32>
    %swap3A_208 = arith.constant 0 : index
    %swap3A_209 = arith.constant 2048 : index
    %swap3A_210 = vector.load %arg6[%swap3A_208, %swap3A_209] : memref<1x8192xf32, #tpu.memory_space<vmem>>, vector<1x1024xf32>
    %swap3A_211 = vector.shape_cast %swap3A_210 : vector<1x1024xf32> to vector<1024xf32>
    %swap3A_212 = vector.shape_cast %select_n3A_207 : vector<1024xf32> to vector<1x1024xf32>
    tpu.vector_store %arg6[%swap3A_208, %swap3A_209], %swap3A_212 {strides = array<i32>} : memref<1x8192xf32, #tpu.memory_space<vmem>>, vector<1x1024xf32>,
    %iota3A_213 = tpu.iota {dimensions = array<i32: 1>} : vector<512x1024xi32>
    %add3A_214 = arith.constant 3072 : i32
    %add3A_215 = vector.broadcast %add3A_214 : i32 to vector<512x1024xi32>
    %add3A_216 = arith.addi %iota3A_213, %add3A_215 : vector<512x1024xi32>
    %eq3A_217 = vector.broadcast %select_n3A_140 : vector<512x1xi32> to vector<512x1024xi32>
    %eq3A_218 = arith.cmpi eq, %eq3A_217, %add3A_216 : vector<512x1024xi32>
    %convert_element_type3A_219 = arith.extui %eq3A_218 : vector<512x1024xi1> to vector<512x1024xi32>
    %convert_element_type3A_220 = arith.sitofp %convert_element_type3A_219 : vector<512x1024xi32> to vector<512x1024xf32>
    %reduce_sum3A_221 = arith.constant dense<0.000000e+00> : vector<1024xf32>
    %reduce_sum3A_222 = vector.multi_reduction <add>, %convert_element_type3A_220, %reduce_sum3A_221 [0] : vector<512x1024xf32> to vector<1024xf32>
    %eq3A_223 = arith.constant 0 : i32
    %eq3A_224 = arith.cmpi eq, %arg0, %eq3A_223 : i32
    %get3A_225 = arith.constant 0 : index
    %get3A_226 = arith.constant 3072 : index
    %get3A_227 = vector.load %arg6[%get3A_225, %get3A_226] : memref<1x8192xf32, #tpu.memory_space<vmem>>, vector<1x1024xf32>
    %get3A_228 = vector.shape_cast %get3A_227 : vector<1x1024xf32> to vector<1024xf32>
    %add3A_229 = arith.addf %get3A_228, %reduce_sum3A_222 : vector<1024xf32>
    %select_n3A_230 = arith.select %eq3A_224, %reduce_sum3A_222, %add3A_229 : vector<1024xf32>
    %swap3A_231 = arith.constant 0 : index
    %swap3A_232 = arith.constant 3072 : index
    %swap3A_233 = vector.load %arg6[%swap3A_231, %swap3A_232] : memref<1x8192xf32, #tpu.memory_space<vmem>>, vector<1x1024xf32>
    %swap3A_234 = vector.shape_cast %swap3A_233 : vector<1x1024xf32> to vector<1024xf32>
    %swap3A_235 = vector.shape_cast %select_n3A_230 : vector<1024xf32> to vector<1x1024xf32>
    tpu.vector_store %arg6[%swap3A_231, %swap3A_232], %swap3A_235 {strides = array<i32>} : memref<1x8192xf32, #tpu.memory_space<vmem>>, vector<1x1024xf32>,
    %iota3A_236 = tpu.iota {dimensions = array<i32: 1>} : vector<512x1024xi32>
    %add3A_237 = arith.constant 4096 : i32
    %add3A_238 = vector.broadcast %add3A_237 : i32 to vector<512x1024xi32>
    %add3A_239 = arith.addi %iota3A_236, %add3A_238 : vector<512x1024xi32>
    %eq3A_240 = vector.broadcast %select_n3A_140 : vector<512x1xi32> to vector<512x1024xi32>
    %eq3A_241 = arith.cmpi eq, %eq3A_240, %add3A_239 : vector<512x1024xi32>
    %convert_element_type3A_242 = arith.extui %eq3A_241 : vector<512x1024xi1> to vector<512x1024xi32>
    %convert_element_type3A_243 = arith.sitofp %convert_element_type3A_242 : vector<512x1024xi32> to vector<512x1024xf32>
    %reduce_sum3A_244 = arith.constant dense<0.000000e+00> : vector<1024xf32>
    %reduce_sum3A_245 = vector.multi_reduction <add>, %convert_element_type3A_243, %reduce_sum3A_244 [0] : vector<512x1024xf32> to vector<1024xf32>
    %eq3A_246 = arith.constant 0 : i32
    %eq3A_247 = arith.cmpi eq, %arg0, %eq3A_246 : i32
    %get3A_248 = arith.constant 0 : index
    %get3A_249 = arith.constant 4096 : index
    %get3A_250 = vector.load %arg6[%get3A_248, %get3A_249] : memref<1x8192xf32, #tpu.memory_space<vmem>>, vector<1x1024xf32>
    %get3A_251 = vector.shape_cast %get3A_250 : vector<1x1024xf32> to vector<1024xf32>
    %add3A_252 = arith.addf %get3A_251, %reduce_sum3A_245 : vector<1024xf32>
    %select_n3A_253 = arith.select %eq3A_247, %reduce_sum3A_245, %add3A_252 : vector<1024xf32>
    %swap3A_254 = arith.constant 0 : index
    %swap3A_255 = arith.constant 4096 : index
    %swap3A_256 = vector.load %arg6[%swap3A_254, %swap3A_255] : memref<1x8192xf32, #tpu.memory_space<vmem>>, vector<1x1024xf32>
    %swap3A_257 = vector.shape_cast %swap3A_256 : vector<1x1024xf32> to vector<1024xf32>
    %swap3A_258 = vector.shape_cast %select_n3A_253 : vector<1024xf32> to vector<1x1024xf32>
    tpu.vector_store %arg6[%swap3A_254, %swap3A_255], %swap3A_258 {strides = array<i32>} : memref<1x8192xf32, #tpu.memory_space<vmem>>, vector<1x1024xf32>,
    %iota3A_259 = tpu.iota {dimensions = array<i32: 1>} : vector<512x1024xi32>
    %add3A_260 = arith.constant 5120 : i32
    %add3A_261 = vector.broadcast %add3A_260 : i32 to vector<512x1024xi32>
    %add3A_262 = arith.addi %iota3A_259, %add3A_261 : vector<512x1024xi32>
    %eq3A_263 = vector.broadcast %select_n3A_140 : vector<512x1xi32> to vector<512x1024xi32>
    %eq3A_264 = arith.cmpi eq, %eq3A_263, %add3A_262 : vector<512x1024xi32>
    %convert_element_type3A_265 = arith.extui %eq3A_264 : vector<512x1024xi1> to vector<512x1024xi32>
    %convert_element_type3A_266 = arith.sitofp %convert_element_type3A_265 : vector<512x1024xi32> to vector<512x1024xf32>
    %reduce_sum3A_267 = arith.constant dense<0.000000e+00> : vector<1024xf32>
    %reduce_sum3A_268 = vector.multi_reduction <add>, %convert_element_type3A_266, %reduce_sum3A_267 [0] : vector<512x1024xf32> to vector<1024xf32>
    %eq3A_269 = arith.constant 0 : i32
    %eq3A_270 = arith.cmpi eq, %arg0, %eq3A_269 : i32
    %get3A_271 = arith.constant 0 : index
    %get3A_272 = arith.constant 5120 : index
    %get3A_273 = vector.load %arg6[%get3A_271, %get3A_272] : memref<1x8192xf32, #tpu.memory_space<vmem>>, vector<1x1024xf32>
    %get3A_274 = vector.shape_cast %get3A_273 : vector<1x1024xf32> to vector<1024xf32>
    %add3A_275 = arith.addf %get3A_274, %reduce_sum3A_268 : vector<1024xf32>
    %select_n3A_276 = arith.select %eq3A_270, %reduce_sum3A_268, %add3A_275 : vector<1024xf32>
    %swap3A_277 = arith.constant 0 : index
    %swap3A_278 = arith.constant 5120 : index
    %swap3A_279 = vector.load %arg6[%swap3A_277, %swap3A_278] : memref<1x8192xf32, #tpu.memory_space<vmem>>, vector<1x1024xf32>
    %swap3A_280 = vector.shape_cast %swap3A_279 : vector<1x1024xf32> to vector<1024xf32>
    %swap3A_281 = vector.shape_cast %select_n3A_276 : vector<1024xf32> to vector<1x1024xf32>
    tpu.vector_store %arg6[%swap3A_277, %swap3A_278], %swap3A_281 {strides = array<i32>} : memref<1x8192xf32, #tpu.memory_space<vmem>>, vector<1x1024xf32>,
    %iota3A_282 = tpu.iota {dimensions = array<i32: 1>} : vector<512x1024xi32>
    %add3A_283 = arith.constant 6144 : i32
    %add3A_284 = vector.broadcast %add3A_283 : i32 to vector<512x1024xi32>
    %add3A_285 = arith.addi %iota3A_282, %add3A_284 : vector<512x1024xi32>
    %eq3A_286 = vector.broadcast %select_n3A_140 : vector<512x1xi32> to vector<512x1024xi32>
    %eq3A_287 = arith.cmpi eq, %eq3A_286, %add3A_285 : vector<512x1024xi32>
    %convert_element_type3A_288 = arith.extui %eq3A_287 : vector<512x1024xi1> to vector<512x1024xi32>
    %convert_element_type3A_289 = arith.sitofp %convert_element_type3A_288 : vector<512x1024xi32> to vector<512x1024xf32>
    %reduce_sum3A_290 = arith.constant dense<0.000000e+00> : vector<1024xf32>
    %reduce_sum3A_291 = vector.multi_reduction <add>, %convert_element_type3A_289, %reduce_sum3A_290 [0] : vector<512x1024xf32> to vector<1024xf32>
    %eq3A_292 = arith.constant 0 : i32
    %eq3A_293 = arith.cmpi eq, %arg0, %eq3A_292 : i32
    %get3A_294 = arith.constant 0 : index
    %get3A_295 = arith.constant 6144 : index
    %get3A_296 = vector.load %arg6[%get3A_294, %get3A_295] : memref<1x8192xf32, #tpu.memory_space<vmem>>, vector<1x1024xf32>
    %get3A_297 = vector.shape_cast %get3A_296 : vector<1x1024xf32> to vector<1024xf32>
    %add3A_298 = arith.addf %get3A_297, %reduce_sum3A_291 : vector<1024xf32>
    %select_n3A_299 = arith.select %eq3A_293, %reduce_sum3A_291, %add3A_298 : vector<1024xf32>
    %swap3A_300 = arith.constant 0 : index
    %swap3A_301 = arith.constant 6144 : index
    %swap3A_302 = vector.load %arg6[%swap3A_300, %swap3A_301] : memref<1x8192xf32, #tpu.memory_space<vmem>>, vector<1x1024xf32>
    %swap3A_303 = vector.shape_cast %swap3A_302 : vector<1x1024xf32> to vector<1024xf32>
    %swap3A_304 = vector.shape_cast %select_n3A_299 : vector<1024xf32> to vector<1x1024xf32>
    tpu.vector_store %arg6[%swap3A_300, %swap3A_301], %swap3A_304 {strides = array<i32>} : memref<1x8192xf32, #tpu.memory_space<vmem>>, vector<1x1024xf32>,
    %iota3A_305 = tpu.iota {dimensions = array<i32: 1>} : vector<512x1024xi32>
    %add3A_306 = arith.constant 7168 : i32
    %add3A_307 = vector.broadcast %add3A_306 : i32 to vector<512x1024xi32>
    %add3A_308 = arith.addi %iota3A_305, %add3A_307 : vector<512x1024xi32>
    %eq3A_309 = vector.broadcast %select_n3A_140 : vector<512x1xi32> to vector<512x1024xi32>
    %eq3A_310 = arith.cmpi eq, %eq3A_309, %add3A_308 : vector<512x1024xi32>
    %convert_element_type3A_311 = arith.extui %eq3A_310 : vector<512x1024xi1> to vector<512x1024xi32>
    %convert_element_type3A_312 = arith.sitofp %convert_element_type3A_311 : vector<512x1024xi32> to vector<512x1024xf32>
    %reduce_sum3A_313 = arith.constant dense<0.000000e+00> : vector<1024xf32>
    %reduce_sum3A_314 = vector.multi_reduction <add>, %convert_element_type3A_312, %reduce_sum3A_313 [0] : vector<512x1024xf32> to vector<1024xf32>
    %eq3A_315 = arith.constant 0 : i32
    %eq3A_316 = arith.cmpi eq, %arg0, %eq3A_315 : i32
    %get3A_317 = arith.constant 0 : index
    %get3A_318 = arith.constant 7168 : index
    %get3A_319 = vector.load %arg6[%get3A_317, %get3A_318] : memref<1x8192xf32, #tpu.memory_space<vmem>>, vector<1x1024xf32>
    %get3A_320 = vector.shape_cast %get3A_319 : vector<1x1024xf32> to vector<1024xf32>
    %add3A_321 = arith.addf %get3A_320, %reduce_sum3A_314 : vector<1024xf32>
    %select_n3A_322 = arith.select %eq3A_316, %reduce_sum3A_314, %add3A_321 : vector<1024xf32>
    %swap3A_323 = arith.constant 0 : index
    %swap3A_324 = arith.constant 7168 : index
    %swap3A_325 = vector.load %arg6[%swap3A_323, %swap3A_324] : memref<1x8192xf32, #tpu.memory_space<vmem>>, vector<1x1024xf32>
    %swap3A_326 = vector.shape_cast %swap3A_325 : vector<1x1024xf32> to vector<1024xf32>
    %swap3A_327 = vector.shape_cast %select_n3A_322 : vector<1024xf32> to vector<1x1024xf32>
    tpu.vector_store %arg6[%swap3A_323, %swap3A_324], %swap3A_327 {strides = array<i32>} : memref<1x8192xf32, #tpu.memory_space<vmem>>, vector<1x1024xf32>,
    return
  }
  func.func @transform_0(%arg0: i32) -> (i32, i32, i32) {
    %c0_i32 = arith.constant 0 : i32
    %c0_i32_0 = arith.constant 0 : i32
    %c0_i32_1 = arith.constant 0 : i32
    return %arg0, %c0_i32, %c0_i32_0 : i32, i32, i32
  }
  func.func @transform_1(%arg0: i32) -> (i32, i32, i32) {
    %c0_i32 = arith.constant 0 : i32
    %c0_i32_0 = arith.constant 0 : i32
    %c0_i32_1 = arith.constant 0 : i32
    return %arg0, %c0_i32, %c0_i32_0 : i32, i32, i32
  }
  func.func @transform_2(%arg0: i32) -> (i32, i32) {
    %c0_i32 = arith.constant 0 : i32
    %c0_i32_0 = arith.constant 0 : i32
    %c0_i32_1 = arith.constant 0 : i32
    return %c0_i32, %c0_i32_0 : i32, i32
  }
  func.func @transform_3(%arg0: i32) -> (i32, i32) {
    %c0_i32 = arith.constant 0 : i32
    %c0_i32_0 = arith.constant 0 : i32
    %c0_i32_1 = arith.constant 0 : i32
    return %c0_i32, %c0_i32_0 : i32, i32
  }
  func.func @transform_4(%arg0: i32) -> (i32, i32, i32) {
    %c0_i32 = arith.constant 0 : i32
    %c0_i32_0 = arith.constant 0 : i32
    %c0_i32_1 = arith.constant 0 : i32
    return %arg0, %c0_i32, %c0_i32_0 : i32, i32, i32
  }
  func.func @transform_5(%arg0: i32) -> (i32, i32) {
    %c0_i32 = arith.constant 0 : i32
    %c0_i32_0 = arith.constant 0 : i32
    %c0_i32_1 = arith.constant 0 : i32
    return %c0_i32, %c0_i32_0 : i32, i32
  }
}

module attributes {stable_mosaic.version = 14 : i64} {
  func.func @_dec_body(%arg0: i32, %arg1: memref<1x512x256xf32, #tpu.memory_space<vmem>>, %arg2: memref<1x512x256xf32, #tpu.memory_space<vmem>>, %arg3: memref<64x128xf32, #tpu.memory_space<vmem>>, %arg4: memref<3x768x256xf32, #tpu.memory_space<vmem>>, %arg5: memref<1x768xf32, #tpu.memory_space<vmem>>, %arg6: memref<4x768x768xf32, #tpu.memory_space<vmem>>, %arg7: memref<1x768xf32, #tpu.memory_space<vmem>>, %arg8: memref<768x384xf32, #tpu.memory_space<vmem>>, %arg9: memref<768x384xf32, #tpu.memory_space<vmem>>, %arg10: memref<2x768x128xf32, #tpu.memory_space<vmem>>, %arg11: memref<1x128xf32, #tpu.memory_space<vmem>>, %arg12: memref<1x512x4x128xf32, #tpu.memory_space<vmem>>, %arg13: memref<1x1xf32, #tpu.memory_space<vmem>>, %arg14: memref<1x1xf32, #tpu.memory_space<vmem>>) attributes {dimension_semantics = [#tpu.dimension_semantics<arbitrary>], iteration_bounds = array<i64: 8>, scalar_prefetch = 0 : i64, scratch_operands = 0 : i64, tpu.core_type = #tpu.core_type<tc>, window_params = [{transform_indices = @transform_0, window_bounds = array<i64: 1, 512, 256>}, {transform_indices = @transform_1, window_bounds = array<i64: 1, 512, 256>}, {pipeline_mode = #tpu.pipeline_mode<synchronous>, transform_indices = @transform_2, window_bounds = array<i64: 64, 128>}, {pipeline_mode = #tpu.pipeline_mode<synchronous>, transform_indices = @transform_3, window_bounds = array<i64: 3, 768, 256>}, {pipeline_mode = #tpu.pipeline_mode<synchronous>, transform_indices = @transform_4, window_bounds = array<i64: 1, 768>}, {pipeline_mode = #tpu.pipeline_mode<synchronous>, transform_indices = @transform_5, window_bounds = array<i64: 4, 768, 768>}, {pipeline_mode = #tpu.pipeline_mode<synchronous>, transform_indices = @transform_6, window_bounds = array<i64: 1, 768>}, {pipeline_mode = #tpu.pipeline_mode<synchronous>, transform_indices = @transform_7, window_bounds = array<i64: 768, 384>}, {pipeline_mode = #tpu.pipeline_mode<synchronous>, transform_indices = @transform_8, window_bounds = array<i64: 768, 384>}, {pipeline_mode = #tpu.pipeline_mode<synchronous>, transform_indices = @transform_9, window_bounds = array<i64: 2, 768, 128>}, {pipeline_mode = #tpu.pipeline_mode<synchronous>, transform_indices = @transform_10, window_bounds = array<i64: 1, 128>}, {transform_indices = @transform_11, window_bounds = array<i64: 1, 512, 4, 128>}, {pipeline_mode = #tpu.pipeline_mode<synchronous>, transform_indices = @transform_12, window_bounds = array<i64: 1, 1>}, {pipeline_mode = #tpu.pipeline_mode<synchronous>, transform_indices = @transform_13, window_bounds = array<i64: 1, 1>}]} {
    %get3A = arith.constant 0 : index
    %get3A_0 = arith.constant 0 : index
    %get3A_1 = arith.constant 0 : index
    %get3A_2 = vector.load %arg1[%get3A, %get3A_0, %get3A_1] : memref<1x512x256xf32, #tpu.memory_space<vmem>>, vector<1x512x256xf32>
    %get3A_3 = vector.shape_cast %get3A_2 : vector<1x512x256xf32> to vector<512x256xf32>
    %get3A_4 = arith.constant 0 : index
    %get3A_5 = arith.constant 0 : index
    %get3A_6 = arith.constant 0 : index
    %get3A_7 = vector.load %arg2[%get3A_4, %get3A_5, %get3A_6] : memref<1x512x256xf32, #tpu.memory_space<vmem>>, vector<1x512x256xf32>
    %get3A_8 = vector.shape_cast %get3A_7 : vector<1x512x256xf32> to vector<512x256xf32>
    %sub3A = arith.subf %get3A_3, %get3A_8 : vector<512x256xf32>
    %add3A = arith.addf %get3A_8, %sub3A : vector<512x256xf32>
    %mul3A = arith.mulf %sub3A, %sub3A : vector<512x256xf32>
    %reduce_sum3A = vector.shape_cast %mul3A : vector<512x256xf32> to vector<1x512x256xf32>
    %reduce_sum3A_9 = arith.constant dense<0.000000e+00> : vector<1xf32>
    %reduce_sum3A_10 = vector.multi_reduction <add>, %reduce_sum3A, %reduce_sum3A_9 [1, 2] : vector<1x512x256xf32> to vector<1xf32>
    %reduce_sum3A_11 = vector.shape_cast %reduce_sum3A_10 : vector<1xf32> to vector<1x1x1xf32>
    %reduce_sum3A_12 = vector.extract %reduce_sum3A_11[0, 0, 0] : f32 from vector<1x1x1xf32>
    %reshape3A = vector.broadcast %reduce_sum3A_12 : f32 to vector<1x1xf32>
    %eq3A = arith.constant 0 : i32
    %eq3A_13 = arith.cmpi eq, %arg0, %eq3A : i32
    %broadcast_in_dim3A = arith.constant 0.000000e+00 : f32
    %broadcast_in_dim3A_14 = vector.broadcast %broadcast_in_dim3A : f32 to vector<1x1xf32>
    %get3A_15 = arith.constant 0 : index
    %get3A_16 = arith.constant 0 : index
    %get3A_17 = vector.load %arg13[%get3A_15, %get3A_16] : memref<1x1xf32, #tpu.memory_space<vmem>>, vector<1x1xf32>
    %select_n3A = arith.select %eq3A_13, %broadcast_in_dim3A_14, %get3A_17 : vector<1x1xf32>
    %add3A_18 = arith.addf %select_n3A, %reshape3A : vector<1x1xf32>
    %eq3A_19 = arith.constant 7 : i32
    %eq3A_20 = arith.cmpi eq, %arg0, %eq3A_19 : i32
    %mul3A_21 = arith.constant 1.1920929E-6 : f32
    %mul3A_22 = vector.broadcast %mul3A_21 : f32 to vector<1x1xf32>
    %mul3A_23 = arith.mulf %add3A_18, %mul3A_22 : vector<1x1xf32>
    %select_n3A_24 = arith.select %eq3A_20, %mul3A_23, %add3A_18 : vector<1x1xf32>
    %swap3A = arith.constant 0 : index
    %swap3A_25 = arith.constant 0 : index
    %swap3A_26 = vector.load %arg13[%swap3A, %swap3A_25] : memref<1x1xf32, #tpu.memory_space<vmem>>, vector<1x1xf32>
    tpu.vector_store %arg13[%swap3A, %swap3A_25], %select_n3A_24 {strides = array<i32>} : memref<1x1xf32, #tpu.memory_space<vmem>>, vector<1x1xf32>,
    %eq3A_27 = arith.constant 0 : i32
    %eq3A_28 = arith.cmpi eq, %arg0, %eq3A_27 : i32
    %convert_element_type3A = arith.extui %eq3A_28 : i1 to i32
    %cond3A = arith.constant 0 : i32
    %cond3A_29 = arith.cmpi ne, %convert_element_type3A, %cond3A : i32
    scf.if %cond3A_29 {
      %get3A_203 = arith.constant 0 : index
      %get3A_204 = arith.constant 0 : index
      %get3A_205 = vector.load %arg3[%get3A_203, %get3A_204] : memref<64x128xf32, #tpu.memory_space<vmem>>, vector<64x128xf32>
      %mul3A_206 = arith.constant 2.44140625E-4 : f32
      %mul3A_207 = vector.broadcast %mul3A_206 : f32 to vector<64x128xf32>
      %mul3A_208 = arith.mulf %get3A_205, %mul3A_207 : vector<64x128xf32>
      %add3A_209 = arith.constant 1.000000e-10 : f32
      %add3A_210 = vector.broadcast %add3A_209 : f32 to vector<64x128xf32>
      %add3A_211 = arith.addf %mul3A_208, %add3A_210 : vector<64x128xf32>
      %log3A = math.log %add3A_211 : vector<64x128xf32>
      %mul3A_212 = arith.mulf %mul3A_208, %log3A : vector<64x128xf32>
      %reduce_sum3A_213 = vector.shape_cast %mul3A_212 : vector<64x128xf32> to vector<1x64x128xf32>
      %reduce_sum3A_214 = arith.constant dense<0.000000e+00> : vector<1xf32>
      %reduce_sum3A_215 = vector.multi_reduction <add>, %reduce_sum3A_213, %reduce_sum3A_214 [1, 2] : vector<1x64x128xf32> to vector<1xf32>
      %reduce_sum3A_216 = vector.shape_cast %reduce_sum3A_215 : vector<1xf32> to vector<1x1x1xf32>
      %reduce_sum3A_217 = vector.extract %reduce_sum3A_216[0, 0, 0] : f32 from vector<1x1x1xf32>
      %neg3A = arith.constant 0.000000e+00 : f32
      %neg3A_218 = arith.subf %neg3A, %reduce_sum3A_217 : f32
      %exp3A = math.exp %neg3A_218 : f32
      %reshape3A_219 = vector.broadcast %exp3A : f32 to vector<1x1xf32>
      %swap3A_220 = arith.constant 0 : index
      %swap3A_221 = arith.constant 0 : index
      %swap3A_222 = vector.load %arg14[%swap3A_220, %swap3A_221] : memref<1x1xf32, #tpu.memory_space<vmem>>, vector<1x1xf32>
      tpu.vector_store %arg14[%swap3A_220, %swap3A_221], %reshape3A_219 {strides = array<i32>} : memref<1x1xf32, #tpu.memory_space<vmem>>, vector<1x1xf32>,
    } else {
    }
    %get3A_30 = arith.constant 0 : index
    %get3A_31 = arith.constant 0 : index
    %get3A_32 = vector.load %arg5[%get3A_30, %get3A_31] : memref<1x768xf32, #tpu.memory_space<vmem>>, vector<1x768xf32>
    %get3A_33 = vector.shape_cast %get3A_32 : vector<1x768xf32> to vector<768xf32>
    %broadcast_in_dim3A_34 = vector.shape_cast %get3A_33 : vector<768xf32> to vector<1x768xf32>
    %get3A_35 = arith.constant 0 : index
    %get3A_36 = arith.constant 0 : index
    %get3A_37 = vector.load %arg7[%get3A_35, %get3A_36] : memref<1x768xf32, #tpu.memory_space<vmem>>, vector<1x768xf32>
    %get3A_38 = vector.shape_cast %get3A_37 : vector<1x768xf32> to vector<768xf32>
    %broadcast_in_dim3A_39 = vector.shape_cast %get3A_38 : vector<768xf32> to vector<1x768xf32>
    %get3A_40 = arith.constant 0 : index
    %get3A_41 = arith.constant 0 : index
    %get3A_42 = vector.load %arg11[%get3A_40, %get3A_41] : memref<1x128xf32, #tpu.memory_space<vmem>>, vector<1x128xf32>
    %get3A_43 = vector.shape_cast %get3A_42 : vector<1x128xf32> to vector<128xf32>
    %broadcast_in_dim3A_44 = vector.shape_cast %get3A_43 : vector<128xf32> to vector<1x128xf32>
    %broadcast_in_dim3A_45 = arith.constant 0.000000e+00 : f32
    %broadcast_in_dim3A_46 = vector.broadcast %broadcast_in_dim3A_45 : f32 to vector<1x256xf32>
    %slice3A = vector.extract_strided_slice %add3A {offsets = [0, 0], sizes = [511, 256], strides = [1, 1]} : vector<512x256xf32> to vector<511x256xf32>
    %concatenate3A = tpu.concatenate %broadcast_in_dim3A_46, %slice3A in 0 : vector<1x256xf32>, vector<511x256xf32> -> vector<512x256xf32>
    %get3A_47 = arith.constant 0 : index
    %get3A_48 = arith.constant 0 : index
    %get3A_49 = arith.constant 0 : index
    %get3A_50 = vector.load %arg4[%get3A_47, %get3A_48, %get3A_49] : memref<3x768x256xf32, #tpu.memory_space<vmem>>, vector<1x768x256xf32>
    %get3A_51 = vector.shape_cast %get3A_50 : vector<1x768x256xf32> to vector<768x256xf32>
    %dot_general3A = arith.constant dense<0.000000e+00> : vector<512x768xf32>
    %dot_general3A_52 = tpu.matmul %concatenate3A, %get3A_51, %dot_general3A {dimension_numbers = #tpu.dot_dimension_numbers<[1], [1], [0], [0], [0, 0, 1, 0], [], []>, transpose_lhs_hint = false} : vector<512x256xf32>, vector<768x256xf32>, vector<512x768xf32> -> vector<512x768xf32>
    %get3A_53 = arith.constant 1 : index
    %get3A_54 = arith.constant 0 : index
    %get3A_55 = arith.constant 0 : index
    %get3A_56 = vector.load %arg4[%get3A_53, %get3A_54, %get3A_55] : memref<3x768x256xf32, #tpu.memory_space<vmem>>, vector<1x768x256xf32>
    %get3A_57 = vector.shape_cast %get3A_56 : vector<1x768x256xf32> to vector<768x256xf32>
    %dot_general3A_58 = arith.constant dense<0.000000e+00> : vector<512x768xf32>
    %dot_general3A_59 = tpu.matmul %add3A, %get3A_57, %dot_general3A_58 {dimension_numbers = #tpu.dot_dimension_numbers<[1], [1], [0], [0], [0, 0, 1, 0], [], []>, transpose_lhs_hint = false} : vector<512x256xf32>, vector<768x256xf32>, vector<512x768xf32> -> vector<512x768xf32>
    %add3A_60 = arith.addf %dot_general3A_52, %dot_general3A_59 : vector<512x768xf32>
    %slice3A_61 = vector.extract_strided_slice %add3A {offsets = [1, 0], sizes = [511, 256], strides = [1, 1]} : vector<512x256xf32> to vector<511x256xf32>
    %broadcast_in_dim3A_62 = arith.constant 0.000000e+00 : f32
    %broadcast_in_dim3A_63 = vector.broadcast %broadcast_in_dim3A_62 : f32 to vector<1x256xf32>
    %concatenate3A_64 = tpu.concatenate %slice3A_61, %broadcast_in_dim3A_63 in 0 : vector<511x256xf32>, vector<1x256xf32> -> vector<512x256xf32>
    %get3A_65 = arith.constant 2 : index
    %get3A_66 = arith.constant 0 : index
    %get3A_67 = arith.constant 0 : index
    %get3A_68 = vector.load %arg4[%get3A_65, %get3A_66, %get3A_67] : memref<3x768x256xf32, #tpu.memory_space<vmem>>, vector<1x768x256xf32>
    %get3A_69 = vector.shape_cast %get3A_68 : vector<1x768x256xf32> to vector<768x256xf32>
    %dot_general3A_70 = arith.constant dense<0.000000e+00> : vector<512x768xf32>
    %dot_general3A_71 = tpu.matmul %concatenate3A_64, %get3A_69, %dot_general3A_70 {dimension_numbers = #tpu.dot_dimension_numbers<[1], [1], [0], [0], [0, 0, 1, 0], [], []>, transpose_lhs_hint = false} : vector<512x256xf32>, vector<768x256xf32>, vector<512x768xf32> -> vector<512x768xf32>
    %add3A_72 = arith.addf %add3A_60, %dot_general3A_71 : vector<512x768xf32>
    %add3A_73 = vector.broadcast %broadcast_in_dim3A_34 : vector<1x768xf32> to vector<512x768xf32>
    %add3A_74 = arith.addf %add3A_72, %add3A_73 : vector<512x768xf32>
    %max3A = arith.constant 0.000000e+00 : f32
    %max3A_75 = vector.broadcast %max3A : f32 to vector<512x768xf32>
    %max3A_76 = arith.maximumf %add3A_74, %max3A_75 : vector<512x768xf32>
    %get3A_77 = arith.constant 1 : index
    %get3A_78 = arith.constant 0 : index
    %get3A_79 = arith.constant 0 : index
    %get3A_80 = vector.load %arg6[%get3A_77, %get3A_78, %get3A_79] : memref<4x768x768xf32, #tpu.memory_space<vmem>>, vector<1x768x768xf32>
    %get3A_81 = vector.shape_cast %get3A_80 : vector<1x768x768xf32> to vector<768x768xf32>
    %dot_general3A_82 = arith.constant dense<0.000000e+00> : vector<512x768xf32>
    %dot_general3A_83 = tpu.matmul %max3A_76, %get3A_81, %dot_general3A_82 {dimension_numbers = #tpu.dot_dimension_numbers<[1], [0], [0], [1], [0, 0, 1, 1], [], []>, transpose_lhs_hint = false} : vector<512x768xf32>, vector<768x768xf32>, vector<512x768xf32> -> vector<512x768xf32>
    %broadcast_in_dim3A_84 = arith.constant 0.000000e+00 : f32
    %broadcast_in_dim3A_85 = vector.broadcast %broadcast_in_dim3A_84 : f32 to vector<1x768xf32>
    %slice3A_86 = vector.extract_strided_slice %max3A_76 {offsets = [0, 0], sizes = [511, 768], strides = [1, 1]} : vector<512x768xf32> to vector<511x768xf32>
    %concatenate3A_87 = tpu.concatenate %broadcast_in_dim3A_85, %slice3A_86 in 0 : vector<1x768xf32>, vector<511x768xf32> -> vector<512x768xf32>
    %get3A_88 = arith.constant 3 : index
    %get3A_89 = arith.constant 0 : index
    %get3A_90 = arith.constant 0 : index
    %get3A_91 = vector.load %arg6[%get3A_88, %get3A_89, %get3A_90] : memref<4x768x768xf32, #tpu.memory_space<vmem>>, vector<1x768x768xf32>
    %get3A_92 = vector.shape_cast %get3A_91 : vector<1x768x768xf32> to vector<768x768xf32>
    %dot_general3A_93 = arith.constant dense<0.000000e+00> : vector<512x768xf32>
    %dot_general3A_94 = tpu.matmul %concatenate3A_87, %get3A_92, %dot_general3A_93 {dimension_numbers = #tpu.dot_dimension_numbers<[1], [0], [0], [1], [0, 0, 1, 1], [], []>, transpose_lhs_hint = false} : vector<512x768xf32>, vector<768x768xf32>, vector<512x768xf32> -> vector<512x768xf32>
    %add3A_95 = arith.addf %dot_general3A_83, %dot_general3A_94 : vector<512x768xf32>
    %add3A_96 = vector.broadcast %broadcast_in_dim3A_39 : vector<1x768xf32> to vector<512x768xf32>
    %add3A_97 = arith.addf %add3A_95, %add3A_96 : vector<512x768xf32>
    %max3A_98 = arith.constant 0.000000e+00 : f32
    %max3A_99 = vector.broadcast %max3A_98 : f32 to vector<512x768xf32>
    %max3A_100 = arith.maximumf %add3A_97, %max3A_99 : vector<512x768xf32>
    %slice3A_101 = vector.extract_strided_slice %max3A_76 {offsets = [1, 0], sizes = [511, 768], strides = [1, 1]} : vector<512x768xf32> to vector<511x768xf32>
    %broadcast_in_dim3A_102 = arith.constant 0.000000e+00 : f32
    %broadcast_in_dim3A_103 = vector.broadcast %broadcast_in_dim3A_102 : f32 to vector<1x768xf32>
    %concatenate3A_104 = tpu.concatenate %slice3A_101, %broadcast_in_dim3A_103 in 0 : vector<511x768xf32>, vector<1x768xf32> -> vector<512x768xf32>
    %get3A_105 = arith.constant 0 : index
    %get3A_106 = arith.constant 0 : index
    %get3A_107 = arith.constant 0 : index
    %get3A_108 = vector.load %arg6[%get3A_105, %get3A_106, %get3A_107] : memref<4x768x768xf32, #tpu.memory_space<vmem>>, vector<1x768x768xf32>
    %get3A_109 = vector.shape_cast %get3A_108 : vector<1x768x768xf32> to vector<768x768xf32>
    %dot_general3A_110 = arith.constant dense<0.000000e+00> : vector<512x768xf32>
    %dot_general3A_111 = tpu.matmul %concatenate3A_104, %get3A_109, %dot_general3A_110 {dimension_numbers = #tpu.dot_dimension_numbers<[1], [0], [0], [1], [0, 0, 1, 1], [], []>, transpose_lhs_hint = false} : vector<512x768xf32>, vector<768x768xf32>, vector<512x768xf32> -> vector<512x768xf32>
    %get3A_112 = arith.constant 2 : index
    %get3A_113 = arith.constant 0 : index
    %get3A_114 = arith.constant 0 : index
    %get3A_115 = vector.load %arg6[%get3A_112, %get3A_113, %get3A_114] : memref<4x768x768xf32, #tpu.memory_space<vmem>>, vector<1x768x768xf32>
    %get3A_116 = vector.shape_cast %get3A_115 : vector<1x768x768xf32> to vector<768x768xf32>
    %dot_general3A_117 = arith.constant dense<0.000000e+00> : vector<512x768xf32>
    %dot_general3A_118 = tpu.matmul %max3A_76, %get3A_116, %dot_general3A_117 {dimension_numbers = #tpu.dot_dimension_numbers<[1], [0], [0], [1], [0, 0, 1, 1], [], []>, transpose_lhs_hint = false} : vector<512x768xf32>, vector<768x768xf32>, vector<512x768xf32> -> vector<512x768xf32>
    %add3A_119 = arith.addf %dot_general3A_111, %dot_general3A_118 : vector<512x768xf32>
    %add3A_120 = vector.broadcast %broadcast_in_dim3A_39 : vector<1x768xf32> to vector<512x768xf32>
    %add3A_121 = arith.addf %add3A_119, %add3A_120 : vector<512x768xf32>
    %max3A_122 = arith.constant 0.000000e+00 : f32
    %max3A_123 = vector.broadcast %max3A_122 : f32 to vector<512x768xf32>
    %max3A_124 = arith.maximumf %add3A_121, %max3A_123 : vector<512x768xf32>
    %get3A_125 = arith.constant 0 : index
    %get3A_126 = arith.constant 0 : index
    %get3A_127 = vector.load %arg8[%get3A_125, %get3A_126] : memref<768x384xf32, #tpu.memory_space<vmem>>, vector<768x384xf32>
    %dot_general3A_128 = arith.constant dense<0.000000e+00> : vector<512x384xf32>
    %dot_general3A_129 = tpu.matmul %max3A_100, %get3A_127, %dot_general3A_128 {dimension_numbers = #tpu.dot_dimension_numbers<[1], [0], [0], [1], [0, 0, 1, 1], [], []>, transpose_lhs_hint = false} : vector<512x768xf32>, vector<768x384xf32>, vector<512x384xf32> -> vector<512x384xf32>
    %get3A_130 = arith.constant 0 : index
    %get3A_131 = arith.constant 0 : index
    %get3A_132 = vector.load %arg9[%get3A_130, %get3A_131] : memref<768x384xf32, #tpu.memory_space<vmem>>, vector<768x384xf32>
    %dot_general3A_133 = arith.constant dense<0.000000e+00> : vector<512x384xf32>
    %dot_general3A_134 = tpu.matmul %max3A_124, %get3A_132, %dot_general3A_133 {dimension_numbers = #tpu.dot_dimension_numbers<[1], [0], [0], [1], [0, 0, 1, 1], [], []>, transpose_lhs_hint = false} : vector<512x768xf32>, vector<768x384xf32>, vector<512x384xf32> -> vector<512x384xf32>
    %broadcast_in_dim3A_135 = arith.constant 0.000000e+00 : f32
    %broadcast_in_dim3A_136 = vector.broadcast %broadcast_in_dim3A_135 : f32 to vector<1x768xf32>
    %slice3A_137 = vector.extract_strided_slice %max3A_124 {offsets = [0, 0], sizes = [511, 768], strides = [1, 1]} : vector<512x768xf32> to vector<511x768xf32>
    %concatenate3A_138 = tpu.concatenate %broadcast_in_dim3A_136, %slice3A_137 in 0 : vector<1x768xf32>, vector<511x768xf32> -> vector<512x768xf32>
    %get3A_139 = arith.constant 1 : index
    %get3A_140 = arith.constant 0 : index
    %get3A_141 = arith.constant 0 : index
    %get3A_142 = vector.load %arg10[%get3A_139, %get3A_140, %get3A_141] : memref<2x768x128xf32, #tpu.memory_space<vmem>>, vector<1x768x128xf32>
    %get3A_143 = vector.shape_cast %get3A_142 : vector<1x768x128xf32> to vector<768x128xf32>
    %dot_general3A_144 = arith.constant dense<0.000000e+00> : vector<512x128xf32>
    %dot_general3A_145 = tpu.matmul %concatenate3A_138, %get3A_143, %dot_general3A_144 {dimension_numbers = #tpu.dot_dimension_numbers<[1], [0], [0], [1], [0, 0, 1, 1], [], []>, transpose_lhs_hint = false} : vector<512x768xf32>, vector<768x128xf32>, vector<512x128xf32> -> vector<512x128xf32>
    %slice3A_146 = vector.extract_strided_slice %max3A_100 {offsets = [1, 0], sizes = [511, 768], strides = [1, 1]} : vector<512x768xf32> to vector<511x768xf32>
    %broadcast_in_dim3A_147 = arith.constant 0.000000e+00 : f32
    %broadcast_in_dim3A_148 = vector.broadcast %broadcast_in_dim3A_147 : f32 to vector<1x768xf32>
    %concatenate3A_149 = tpu.concatenate %slice3A_146, %broadcast_in_dim3A_148 in 0 : vector<511x768xf32>, vector<1x768xf32> -> vector<512x768xf32>
    %get3A_150 = arith.constant 0 : index
    %get3A_151 = arith.constant 0 : index
    %get3A_152 = arith.constant 0 : index
    %get3A_153 = vector.load %arg10[%get3A_150, %get3A_151, %get3A_152] : memref<2x768x128xf32, #tpu.memory_space<vmem>>, vector<1x768x128xf32>
    %get3A_154 = vector.shape_cast %get3A_153 : vector<1x768x128xf32> to vector<768x128xf32>
    %dot_general3A_155 = arith.constant dense<0.000000e+00> : vector<512x128xf32>
    %dot_general3A_156 = tpu.matmul %concatenate3A_149, %get3A_154, %dot_general3A_155 {dimension_numbers = #tpu.dot_dimension_numbers<[1], [0], [0], [1], [0, 0, 1, 1], [], []>, transpose_lhs_hint = false} : vector<512x768xf32>, vector<768x128xf32>, vector<512x128xf32> -> vector<512x128xf32>
    %slice3A_157 = vector.extract_strided_slice %dot_general3A_129 {offsets = [0, 0], sizes = [512, 128], strides = [1, 1]} : vector<512x384xf32> to vector<512x128xf32>
    %add3A_158 = arith.addf %slice3A_157, %dot_general3A_145 : vector<512x128xf32>
    %add3A_159 = vector.broadcast %broadcast_in_dim3A_44 : vector<1x128xf32> to vector<512x128xf32>
    %add3A_160 = arith.addf %add3A_158, %add3A_159 : vector<512x128xf32>
    %swap3A_161 = arith.constant 0 : index
    %swap3A_162 = arith.constant 0 : index
    %swap3A_163 = arith.constant 0 : index
    %swap3A_164 = arith.constant 0 : index
    %swap3A_165 = vector.load %arg12[%swap3A_161, %swap3A_162, %swap3A_163, %swap3A_164] : memref<1x512x4x128xf32, #tpu.memory_space<vmem>>, vector<1x512x1x128xf32>
    %swap3A_166 = vector.shape_cast %swap3A_165 : vector<1x512x1x128xf32> to vector<512x128xf32>
    %swap3A_167 = vector.shape_cast %add3A_160 : vector<512x128xf32> to vector<1x512x1x128xf32>
    tpu.vector_store %arg12[%swap3A_161, %swap3A_162, %swap3A_163, %swap3A_164], %swap3A_167 {strides = array<i32>} : memref<1x512x4x128xf32, #tpu.memory_space<vmem>>, vector<1x512x1x128xf32>,
    %slice3A_168 = vector.extract_strided_slice %dot_general3A_129 {offsets = [0, 128], sizes = [512, 128], strides = [1, 1]} : vector<512x384xf32> to vector<512x128xf32>
    %slice3A_169 = vector.extract_strided_slice %dot_general3A_134 {offsets = [0, 0], sizes = [512, 128], strides = [1, 1]} : vector<512x384xf32> to vector<512x128xf32>
    %add3A_170 = arith.addf %slice3A_168, %slice3A_169 : vector<512x128xf32>
    %add3A_171 = vector.broadcast %broadcast_in_dim3A_44 : vector<1x128xf32> to vector<512x128xf32>
    %add3A_172 = arith.addf %add3A_170, %add3A_171 : vector<512x128xf32>
    %swap3A_173 = arith.constant 0 : index
    %swap3A_174 = arith.constant 0 : index
    %swap3A_175 = arith.constant 1 : index
    %swap3A_176 = arith.constant 0 : index
    %swap3A_177 = vector.load %arg12[%swap3A_173, %swap3A_174, %swap3A_175, %swap3A_176] : memref<1x512x4x128xf32, #tpu.memory_space<vmem>>, vector<1x512x1x128xf32>
    %swap3A_178 = vector.shape_cast %swap3A_177 : vector<1x512x1x128xf32> to vector<512x128xf32>
    %swap3A_179 = vector.shape_cast %add3A_172 : vector<512x128xf32> to vector<1x512x1x128xf32>
    tpu.vector_store %arg12[%swap3A_173, %swap3A_174, %swap3A_175, %swap3A_176], %swap3A_179 {strides = array<i32>} : memref<1x512x4x128xf32, #tpu.memory_space<vmem>>, vector<1x512x1x128xf32>,
    %slice3A_180 = vector.extract_strided_slice %dot_general3A_129 {offsets = [0, 256], sizes = [512, 128], strides = [1, 1]} : vector<512x384xf32> to vector<512x128xf32>
    %slice3A_181 = vector.extract_strided_slice %dot_general3A_134 {offsets = [0, 128], sizes = [512, 128], strides = [1, 1]} : vector<512x384xf32> to vector<512x128xf32>
    %add3A_182 = arith.addf %slice3A_180, %slice3A_181 : vector<512x128xf32>
    %add3A_183 = vector.broadcast %broadcast_in_dim3A_44 : vector<1x128xf32> to vector<512x128xf32>
    %add3A_184 = arith.addf %add3A_182, %add3A_183 : vector<512x128xf32>
    %swap3A_185 = arith.constant 0 : index
    %swap3A_186 = arith.constant 0 : index
    %swap3A_187 = arith.constant 2 : index
    %swap3A_188 = arith.constant 0 : index
    %swap3A_189 = vector.load %arg12[%swap3A_185, %swap3A_186, %swap3A_187, %swap3A_188] : memref<1x512x4x128xf32, #tpu.memory_space<vmem>>, vector<1x512x1x128xf32>
    %swap3A_190 = vector.shape_cast %swap3A_189 : vector<1x512x1x128xf32> to vector<512x128xf32>
    %swap3A_191 = vector.shape_cast %add3A_184 : vector<512x128xf32> to vector<1x512x1x128xf32>
    tpu.vector_store %arg12[%swap3A_185, %swap3A_186, %swap3A_187, %swap3A_188], %swap3A_191 {strides = array<i32>} : memref<1x512x4x128xf32, #tpu.memory_space<vmem>>, vector<1x512x1x128xf32>,
    %slice3A_192 = vector.extract_strided_slice %dot_general3A_134 {offsets = [0, 256], sizes = [512, 128], strides = [1, 1]} : vector<512x384xf32> to vector<512x128xf32>
    %add3A_193 = arith.addf %slice3A_192, %dot_general3A_156 : vector<512x128xf32>
    %add3A_194 = vector.broadcast %broadcast_in_dim3A_44 : vector<1x128xf32> to vector<512x128xf32>
    %add3A_195 = arith.addf %add3A_193, %add3A_194 : vector<512x128xf32>
    %swap3A_196 = arith.constant 0 : index
    %swap3A_197 = arith.constant 0 : index
    %swap3A_198 = arith.constant 3 : index
    %swap3A_199 = arith.constant 0 : index
    %swap3A_200 = vector.load %arg12[%swap3A_196, %swap3A_197, %swap3A_198, %swap3A_199] : memref<1x512x4x128xf32, #tpu.memory_space<vmem>>, vector<1x512x1x128xf32>
    %swap3A_201 = vector.shape_cast %swap3A_200 : vector<1x512x1x128xf32> to vector<512x128xf32>
    %swap3A_202 = vector.shape_cast %add3A_195 : vector<512x128xf32> to vector<1x512x1x128xf32>
    tpu.vector_store %arg12[%swap3A_196, %swap3A_197, %swap3A_198, %swap3A_199], %swap3A_202 {strides = array<i32>} : memref<1x512x4x128xf32, #tpu.memory_space<vmem>>, vector<1x512x1x128xf32>,
    return
  }
  func.func @transform_0(%arg0: i32) -> (i32, i32, i32) {
    %c0_i32 = arith.constant 0 : i32
    %c0_i32_0 = arith.constant 0 : i32
    %c0_i32_1 = arith.constant 0 : i32
    return %arg0, %c0_i32, %c0_i32_0 : i32, i32, i32
  }
  func.func @transform_1(%arg0: i32) -> (i32, i32, i32) {
    %c0_i32 = arith.constant 0 : i32
    %c0_i32_0 = arith.constant 0 : i32
    %c0_i32_1 = arith.constant 0 : i32
    return %arg0, %c0_i32, %c0_i32_0 : i32, i32, i32
  }
  func.func @transform_2(%arg0: i32) -> (i32, i32) {
    %c0_i32 = arith.constant 0 : i32
    %c0_i32_0 = arith.constant 0 : i32
    %c0_i32_1 = arith.constant 0 : i32
    return %c0_i32, %c0_i32_0 : i32, i32
  }
  func.func @transform_3(%arg0: i32) -> (i32, i32, i32) {
    %c0_i32 = arith.constant 0 : i32
    %c0_i32_0 = arith.constant 0 : i32
    %c0_i32_1 = arith.constant 0 : i32
    %c0_i32_2 = arith.constant 0 : i32
    return %c0_i32, %c0_i32_0, %c0_i32_1 : i32, i32, i32
  }
  func.func @transform_4(%arg0: i32) -> (i32, i32) {
    %c0_i32 = arith.constant 0 : i32
    %c0_i32_0 = arith.constant 0 : i32
    %c0_i32_1 = arith.constant 0 : i32
    return %c0_i32, %c0_i32_0 : i32, i32
  }
  func.func @transform_5(%arg0: i32) -> (i32, i32, i32) {
    %c0_i32 = arith.constant 0 : i32
    %c0_i32_0 = arith.constant 0 : i32
    %c0_i32_1 = arith.constant 0 : i32
    %c0_i32_2 = arith.constant 0 : i32
    return %c0_i32, %c0_i32_0, %c0_i32_1 : i32, i32, i32
  }
  func.func @transform_6(%arg0: i32) -> (i32, i32) {
    %c0_i32 = arith.constant 0 : i32
    %c0_i32_0 = arith.constant 0 : i32
    %c0_i32_1 = arith.constant 0 : i32
    return %c0_i32, %c0_i32_0 : i32, i32
  }
  func.func @transform_7(%arg0: i32) -> (i32, i32) {
    %c0_i32 = arith.constant 0 : i32
    %c0_i32_0 = arith.constant 0 : i32
    %c0_i32_1 = arith.constant 0 : i32
    return %c0_i32, %c0_i32_0 : i32, i32
  }
  func.func @transform_8(%arg0: i32) -> (i32, i32) {
    %c0_i32 = arith.constant 0 : i32
    %c0_i32_0 = arith.constant 0 : i32
    %c0_i32_1 = arith.constant 0 : i32
    return %c0_i32, %c0_i32_0 : i32, i32
  }
  func.func @transform_9(%arg0: i32) -> (i32, i32, i32) {
    %c0_i32 = arith.constant 0 : i32
    %c0_i32_0 = arith.constant 0 : i32
    %c0_i32_1 = arith.constant 0 : i32
    %c0_i32_2 = arith.constant 0 : i32
    return %c0_i32, %c0_i32_0, %c0_i32_1 : i32, i32, i32
  }
  func.func @transform_10(%arg0: i32) -> (i32, i32) {
    %c0_i32 = arith.constant 0 : i32
    %c0_i32_0 = arith.constant 0 : i32
    %c0_i32_1 = arith.constant 0 : i32
    return %c0_i32, %c0_i32_0 : i32, i32
  }
  func.func @transform_11(%arg0: i32) -> (i32, i32, i32, i32) {
    %c0_i32 = arith.constant 0 : i32
    %c0_i32_0 = arith.constant 0 : i32
    %c0_i32_1 = arith.constant 0 : i32
    %c0_i32_2 = arith.constant 0 : i32
    return %arg0, %c0_i32, %c0_i32_0, %c0_i32_1 : i32, i32, i32, i32
  }
  func.func @transform_12(%arg0: i32) -> (i32, i32) {
    %c0_i32 = arith.constant 0 : i32
    %c0_i32_0 = arith.constant 0 : i32
    %c0_i32_1 = arith.constant 0 : i32
    return %c0_i32, %c0_i32_0 : i32, i32
  }
  func.func @transform_13(%arg0: i32) -> (i32, i32) {
    %c0_i32 = arith.constant 0 : i32
    %c0_i32_0 = arith.constant 0 : i32
    %c0_i32_1 = arith.constant 0 : i32
    return %c0_i32, %c0_i32_0 : i32, i32
  }
}

</mosaic_0001>

<sc_bundles>
// kernel: kernel.6.cloned.1.call-start
scs
__scs_entry_jumppad:
0x0: {  	(pc) =	sbr.rel $0x88, $3  }
0x1: {  	(tag) =	ssettag $0x0;
	lr =	simm.s32 $0x1  }
0x2: {  	[smem:$0x3F93] =	sst lr;
	_ =	strace $0xD0000000  }
0x3: {  	_ = 	snop  }
0x4: {  	_ = 	snop  }
0x5: {  	_ = 	snop  }
0x6: {  	_ = 	snop  }
0x7: {  	_ = 	snop  }
__scs_overlays_trampoline_lowered:
0x8: {  	[smem:$0x3FA2] =	sst s0  }
0x9: {  	[smem:$0x3FA3] =	sst s1  }
0xa: {  	[smem:$0x3FA4] =	sst s2  }
0xb: {  	[smem:$0x3FA5] =	sst s3  }
0xc: {  	[smem:$0x3FA6] =	sst s4  }
0xd: {  	[smem:$0x3FA7] =	sst s5  }
0xe: {  	[smem:$0x3FA8] =	sst s6  }
0xf: {  	[smem:$0x3FA9] =	sst s7  }
0x10: {  	[smem:$0x3FAA] =	sst s8  }
0x11: {  	[smem:$0x3FAB] =	sst s9;
	s0 =	simm.s32 @!p0 $0x0  }
0x12: {  	s1 =	sld [smem:$0x3F91];
	s0 =	simm.s32 @p0 $0x1  }
0x13: {  	[smem:$0x3FAC] =	sst s0;
	s0 =	simm.s32 @!p1 $0x0  }
0x14: {  	s2 =	sld [smem:$0x3F90];
	s0 =	simm.s32 @p1 $0x1  }
0x15: {  	[smem:$0x3FAD] =	sst s0;
	s0 =	simm.s32 @!p2 $0x0  }
0x16: {  	s3 =	sld [smem:$0x3FDB];
	s0 =	simm.s32 @p2 $0x1  }
0x17: {  	s4 =	simm.s32 $0x1BF5;
	[smem:$0x3FAF] =	sst s0  }
0x18: {  	s0 =	sld [smem:$0x3F92];
	_ =	swait.ge [sflag:s4], $0x0  }
0x19: {  	s7 =	sld [smem:$0x3F93]  }
0x1a: {  	s8 =	sadd.s32 $0xFFFFE003, lr  }
0x1b: {  	s9 =	sadd.s32 $0xFFFFFEF7, lr;
	s5 =	simm.s32 $0xFFFFFFFF;
	p2 =	slt.u32 s8, $0xFFFFF086  }
0x1c: {  	p1 =	slt.u32 s9, $0xF7A;
	s5 =	simm.s32 @!p2 $0x0  }
0x1d: {  	s5 =	simm.s32 @p1 $0x1;
	p0 =	seq.s32 s7, s2  }
0x1e: {  	s7 =	smul.u32 @!p0 $0xF7A, s2;
	p2 =	seq.s32 @!p0 s5, $0x0  }
0x1f: {  	s9 =	smul.u32 $0xF7A, s1;
	s8 =	simm.s32 @!p0 $0x1BF5;
	p2 =	por !p2, p0  }
0x20: {  	[sflag:s8] =	ssyncset.s32 @!p0 $0xFFFFF086;
	s6 =	sadd.s32 @!p0 s3, s7;
	s7 =	simm.s32 @!p0 $0x108  }
0x21: {  	s3 =	sadd.s32 s3, s9;
	s6 =	sadd.s32 @!p0 $0x88, s6;
	s7 =	simm.s32 @p2 $0x1082  }
0x22: {  	[simem:s7], [sflag:s8] =	dma.local @!p0 [hbm:s6], $0xF7A  }
0x23: {  	s9 =	sor.u32 $0xD0000000, s2;
	s6 =	simm.s32 $0x108;
	_ =	swait.ge @!p0 [sflag:s8], $0x0  }
0x24: {  	s3 =	sadd.s32 $0x88, s3;
	s6 =	simm.s32 @!p1 $0x1082;
	[sflag:s4] =	ssyncset.s32 $0xFFFFF086  }
0x25: {  	[simem:s6], [sflag:s4] =	dma.local [hbm:s3], $0xF7A  }
0x26: {  	[smem:$0x3F93] =	sst s1;
	(tag) =	ssettag s2;
	_ =	strace s9  }
0x27: {  	s1 =	sld [smem:$0x3FA3]  }
0x28: {  	s2 =	sld [smem:$0x3FA4]  }
0x29: {  	s4 =	sld [smem:$0x3FA6]  }
0x2a: {  	p0 =	seq.s32 s5, $0x0;
	s5 =	sld [smem:$0x3FA7]  }
0x2b: {  	s6 =	sld [smem:$0x3FA8]  }
0x2c: {  	s7 =	sld [smem:$0x3FA9]  }
0x2d: {  	s3 =	simm.s32 $0x108;
	s8 =	sld [smem:$0x3FAA]  }
0x2e: {  	s3 =	simm.s32 @!p0 $0x1082;
	s9 =	sld [smem:$0x3FAB]  }
0x2f: {  	lr =	sadd.s32 s0, s3;
	s0 =	sld [smem:$0x3FA2]  }
0x30: {  	s3 =	sld [smem:$0x3FA5]  }
0x31: {  	[smem:$0x3FAE] =	sst s10  }
0x32: {  	s10 =	sld [smem:$0x3FAC];
	_ =	sdelay $0x3  }
0x33: {  	p0 =	seq.s32 s10, $0x1;
	s10 =	sld [smem:$0x3FAE];
	_ =	sdelay $0x3  }
0x34: {  	[smem:$0x3FAE] =	sst s10  }
0x35: {  	s10 =	sld [smem:$0x3FAD];
	_ =	sdelay $0x3  }
0x36: {  	p1 =	seq.s32 s10, $0x1;
	s10 =	sld [smem:$0x3FAE];
	_ =	sdelay $0x3  }
0x37: {  	[smem:$0x3FAE] =	sst s10  }
0x38: {  	s10 =	sld [smem:$0x3FAF]  }
0x39: {  	_ = 	snop;
	(pc) =	sbr.ind lr, $3  }
0x3a: {  	_ = 	snop  }
0x3b: {  	_ = 	snop  }
0x3c: {  	p2 =	seq.s32 s10, $0x1;
	s10 =	sld [smem:$0x3FAE]  }
0x3d: {  	_ =	shalt  }
0x3e: {  	_ =	shalt  }
0x3f: {  	_ =	shalt  }
0x40: {  	_ =	shalt  }
0x41: {  	_ =	shalt  }
0x42: {  	_ =	shalt  }
0x43: {  	_ =	shalt  }
0x44: {  	_ =	shalt  }
0x45: {  	_ =	shalt  }
0x46: {  	_ =	shalt  }
0x47: {  	_ =	shalt  }
0x48: {  	_ =	shalt  }
0x49: {  	_ =	shalt  }
0x4a: {  	_ =	shalt  }
0x4b: {  	_ =	shalt  }
0x4c: {  	_ =	shalt  }
0x4d: {  	_ =	shalt  }
0x4e: {  	_ =	shalt  }
0x4f: {  	_ =	shalt  }
0x50: {  	_ =	shalt  }
0x51: {  	_ =	shalt  }
0x52: {  	_ =	shalt  }
0x53: {  	_ =	shalt  }
0x54: {  	_ =	shalt  }
0x55: {  	_ =	shalt  }
0x56: {  	_ =	shalt  }
0x57: {  	_ =	shalt  }
0x58: {  	_ =	shalt  }
0x59: {  	_ =	shalt  }
0x5a: {  	_ =	shalt  }
0x5b: {  	_ =	shalt  }
0x5c: {  	_ =	shalt  }
0x5d: {  	_ =	shalt  }
0x5e: {  	_ =	shalt  }
0x5f: {  	_ =	shalt  }
0x60: {  	_ =	shalt  }
0x61: {  	_ =	shalt  }
0x62: {  	_ =	shalt  }
0x63: {  	_ =	shalt  }
0x64: {  	_ =	shalt  }
0x65: {  	_ =	shalt  }
0x66: {  	_ =	shalt  }
0x67: {  	_ =	shalt  }
0x68: {  	_ =	shalt  }
0x69: {  	_ =	shalt  }
0x6a: {  	_ =	shalt  }
0x6b: {  	_ =	shalt  }
0x6c: {  	_ =	shalt  }
0x6d: {  	_ =	shalt  }
0x6e: {  	_ =	shalt  }
0x6f: {  	_ =	shalt  }
0x70: {  	_ =	shalt  }
0x71: {  	_ =	shalt  }
0x72: {  	_ =	shalt  }
0x73: {  	_ =	shalt  }
0x74: {  	_ =	shalt  }
0x75: {  	_ =	shalt  }
0x76: {  	_ =	shalt  }
0x77: {  	_ =	shalt  }
0x78: {  	_ =	shalt  }
0x79: {  	_ =	shalt  }
0x7a: {  	_ =	shalt  }
0x7b: {  	_ =	shalt  }
0x7c: {  	_ =	shalt  }
0x7d: {  	_ =	shalt  }
0x7e: {  	_ =	shalt  }
0x7f: {  	_ =	shalt  }
0x80: {  	_ =	shalt  }
0x81: {  	_ =	shalt  }
0x82: {  	_ =	shalt  }
0x83: {  	_ =	shalt  }
0x84: {  	_ =	shalt  }
0x85: {  	_ =	shalt  }
0x86: {  	_ =	shalt  }
0x87: {  	_ =	shalt  }
.Lfunc_end0:
.L_simem_size_0:
called_computation_lowered:
.L_overlay_start_0:
0x88: {  	s2 =	sld [smem:$0x3FD9]  }
0x89: {  	s3 =	sld [smem:$0x3FFE];
	_ =	sdelay $0x1  }
0x8a: {  	s1 =	srdreg.scid  }
0x8b: {  	s0 =	sand.u32 $0x1, s1  }
0x8c: {  	s14 =	sshll.u32 s0, $0xA;
	s2 =	sadd.s32 s3, s2  }
0x8d: {  	s2 =	sadd.s32 s2, s14  }
0x8e: {  	[smem:$0x3FBA] =	sst s2  }
0x8f: {  	_ = 	snop  }
0x90: {  	s2 =	sld [smem:$0x3FD0];
	_ =	sdelay $0x2  }
0x91: {  	s4 =	simm.s32 $0xA;
	s5 =	simm.s32 $0x10;
	s15 =	sld [smem:$0x3FC2]  }
0x92: {  	[smem:s5], [sflag:s4] =	dma.local [hbm:s2], $0x1  }
0x93: {  	_ =	swait.eq [sflag:s4], $0x1  }
0x94: {  	[sflag:s4] =	ssyncset.done $0x0  }
0x95: {  	[sflag:s4] =	ssyncadd.s32 $0xFFFFFFFF  }
0x96: {  	s16 =	sld [smem:$0x11];
	(tm) =	ssettm $0x1  }
0x97: {  	s17 =	sld [smem:$0x3FFB];
	_ =	sdelay $0x3  }
0x98: {  	_ =	strace s17  }
0x99: {  	s4 =	sld [smem:$0x3FFC];
	_ =	sdelay $0x3  }
0x9a: {  	_ =	strace s4  }
0x9b: {  	s4 =	sld [smem:$0x3FFD];
	_ =	sdelay $0x3  }
0x9c: {  	_ =	strace s4  }
0x9d: {  	_ =	strace $0x8FFFFFFF  }
0x9e: {  	s18 =	sld [smem:$0x3FDB];
	_ =	sdelay $0x1  }
0x9f: {  	s19 =	simm.s32 $_scs_section_size  }
0xa0: {  	s6 =	simm.s32 $_size__tile_overlayer_lowered;
	s7 =	simm.s32 $_tile_overlayer_lowered  }
0xa1: {  	s22 =	simm.s32 $0x1BFF;
	s21 =	sshll.u32 s7, $0x1;
	s4 =	sadd.s32 s19, s18  }
0xa2: {  	s8 =	simm.s32 $0x0;
	s20 =	sshll.u32 s6, $0x1;
	s6 =	sadd.s32 s21, s4  }
0xa3: {  	[timem:s8], [sflag:s22] =	dma.local [hbm:s6], s20  }
0xa4: {  	_ =	swait.ge [sflag:s22], s20  }
0xa5: {  	s5 =	ssub.s32 $0x0, s20;
	[sflag:s22] =	ssyncset.done $0x0  }
0xa6: {  	[sflag:s22] =	ssyncadd.s32 s5;
	_ =	sdelay $0x1  }
0xa7: {  	s23 =	simm.s32 $0x1B8B  }
0xa8: {  	_ =	swait.ge [sflag:s23], $0x1  }
0xa9: {  	[sflag:s23] =	ssyncset.done $0x0  }
0xaa: {  	s25 =	simm.s32 $0x1B8E;
	s24 =	sld [smem:$0x3FFE];
	[sflag:s23] =	ssyncadd.s32 $0xFFFFFFFF  }
0xab: {  	s26 =	simm.s32 $execute0_lowered;
	[smem:$0x3FD2] =	sst s25  }
0xac: {  	s6 =	sshll.u32 s26, $0x1;
	_ =	strace $0x80000046;
	[dreg:$0x1] =	wrdreg $0xFFFFFFFF  }
0xad: {  	s28 =	simm.s32 $_size_execute0_lowered;
	s4 =	sadd.s32 s4, s6;
	[dreg:$0x0] =	wrdreg $0x0  }
0xae: {  	s6 =	sshll.u32 s28, $0x1;
	[dreg:$0x2] =	wrdreg s4  }
0xaf: {  	[dreg:$0x3] =	wrdreg s6  }
0xb0: {  	[dreg:$0x4] =	wrdreg $0xC0  }
0xb1: {  	_ =	task [dreg:s8], $0x5FFFF  }
0xb2: {  	[dreg:$0x1] =	wrdreg $0xFFFFFFFF  }
0xb3: {  	[dreg:$0x0] =	wrdreg $0x60  }
0xb4: {  	[dreg:$0x2] =	wrdreg s15  }
0xb5: {  	[dreg:$0x3] =	wrdreg s24  }
0xb6: {  	[dreg:$0x4] =	wrdreg s16  }
0xb7: {  	[dreg:$0x5] =	wrdreg $0x9  }
0xb8: {  	_ =	task.clear_ibuf [dreg:s8], $0x6FFFF;
	_ =	strace $0x90000046  }
0xb9: {  	s29 =	simm.s32 $0x9;
	_ =	strace $0x80000048  }
0xba: {  	_ =	swait.ge [sflag:s29], $0x1  }
0xbb: {  	[sflag:s29] =	ssyncadd.s32 $0xFFFFFFFF  }
0xbc: {  	_ =	strace $0x90000048  }
0xbd: {  	_ =	sfence  }
0xbe: {  	s30 =	sld [smem:$0x0];
	_ =	sdelay $0x2  }
0xbf: {  	s31 =	sshll.u32 s1, $0xD;
	s1 =	sshrl.u32 s1, $0x2  }
0xc0: {  	s3 =	sand.u32 $0x4000, s31;
	s1 =	sadd.s32 s1, s30  }
0xc1: {  	s0 =	sor.u32 s3, s0;
	s1 =	sshll.u32 s1, $0x11  }
0xc2: {  	s0 =	sor.u32 s1, s0  }
0xc3: {  	s0 =	sadd.s32 $0x8F2B, s0  }
0xc4: {  	[sflag:s0] =	ssyncadd.remote.s32 $0x1  }
0xc5: {  	_ =	sfence.sel $0xFFFF  }
0xc6: {  	[dreg:$0x0] =	wrdreg $0xFFFFFFFF;
	(pc) =	sbr.abs _section_cstart, $3  }
0xc7: {  	[dreg:$0x1] =	wrdreg $0xFFFFFFFF  }
0xc8: {  	_ =	task.clear_ibuf [dreg:s8], $0x2FFFF;
	_ =	strace $0x9FFFFFFF  }
0xc9: {  	(tm) =	ssettm $0x7FFFFFFF  }
tec
execute0_lowered:
.L_overlay_start_1:
0x0: {  	(tag) =	ssettag $0x1  }
0x1: {  	s1 =	rddreg [dreg:$0x0]  }
0x2: {  	s4 =	rddreg [dreg:$0x1]  }
0x3: {  	s5 =	rddreg [dreg:$0x2];
	s3 =	srdreg.scid  }
0x4: {  	s0 =	rddreg [dreg:$0x3];
	s2 =	stileid.u32;
	s10 =	simm.s32 $0x1080  }
0x5: {  	s11 =	simm.s32 $0x1880;
	s12 =	simm.s32 $0x2080;
	s13 =	simm.s32 $0x2880  }
0x6: {  	s14 =	simm.s32 $0x3080;
	s15 =	simm.s32 $0x3880;
	s16 =	simm.s32 $0x4080  }
0x7: {  	s17 =	simm.s32 $0x4880;
	s18 =	simm.s32 $0x5080;
	s19 =	simm.s32 $0x5880  }
0x8: {  	s20 =	simm.s32 $0x6080;
	s21 =	simm.s32 $0x6880;
	s22 =	simm.s32 $0x7080  }
0x9: {  	s23 =	simm.s32 $0x7880;
	s24 =	simm.s32 $0x1;
	s6 =	sand.u32 $0x1, s3  }
0xa: {  	s3 =	simm.s32 $0x0;
	s7 =	sshll.u32 s2, $0x8;
	s8 =	sshll.u32 s6, $0x7  }
0xb: {  	[smem:$0x7FF] =	sst s3;
	s6 =	ssub.s32 $0x2, s6;
	s7 =	sor.u32 s8, s7  }
0xc: {  	_ =	strace $0x80000047;
	s9 =	sshrl.u32 s6, $0x1;
	s8 =	sshrl.u32 s7, $0x3  }
0xd: {  	v2 =	vlaneseq.u32;
	s6 =	ssub.s32 s6, s9;
	s7 =	sshll.u32 s7, $0x5;
	s9 =	simm.s32 $0x880  }
0xe: {  	vm0 =	vmmov $0xffff;
	v1 =	vshrl.u32 v2, $0x3;
	s4 =	sadd.s32 s8, s4;
	s5 =	sadd.s32 s5, s7;
	s6 =	smax.u32 s6, $0x1  }
0xf: {  	v0 =	vand.u32 $0x7, v2;
	v2 =	vor.u32 $0x8, v2;
	v1 =	vmul.u32 $0x8, v1;
	s7 =	simm.s32 $0x2;
	s8 =	simm.s32 $0x80;
	s4 =	sadd.s32 $0x2E00, s4  }
.LBB2_1:
0x10: {  	[tilespmem:s3], [sflag:$0x2] =	stream.linear.gather [hbm4b:s4+s3], $0x80, $0x38;
	[tilespmem:$0x8080] =	vst v63  }
0x11: {  	_ =	swait.ge [sflag:s7], $0x80  }
0x12: {  	[sflag:s7] =	ssyncset.done $0x0  }
0x13: {  	[sflag:s7] =	ssyncadd.s32 $0xFFFFFF80  }
0x14: {  	v3 =	vld [tilespmem:$0x0];
	_ =	sdelay $0x4  }
0x15: {  	v4 =	vshll.u32 v3, $0x1  }
0x16: {  	v3 =	vand.u32 $0x7, v3;
	v4 =	vand.u32 $0xFFFFFFF0, v4  }
0x17: {  	v3 =	vor.u32 v3, v4  }
0x18: {  	v4 =	vperm.xlane v3, v0;
	_ =	sdelay $0x1  }
0x19: {  	v3 =	vperm.xlane v3, v2;
	v4 =	vadd.s32 v1, v4;
	_ =	sdelay $0x1  }
0x1a: {  	v3 =	vadd.s32 v1, v3;
	_ =	sdelay $0x2  }
0x1b: {  	[tilespmem:s8], [sflag:$0x1] =	stream.indirect_vreg.gather [hbm4b:s1+s3], $0x80, v4, vm0, $0xb8;
	[tilespmem:$0x8080] =	vst v63  }
0x1c: {  	_ = 	snop  }
0x1d: {  	[tilespmem:s9], [sflag:$0x1] =	stream.indirect_vreg.gather [hbm4b:s1+s3], $0x80, v3, vm0, $0xb8;
	[tilespmem:$0x8080] =	vst v63  }
0x1e: {  	v3 =	vld [tilespmem:$0x10];
	_ =	sdelay $0x4  }
0x1f: {  	v57 =	vshll.u32 v3, $0x1  }
0x20: {  	v3 =	vand.u32 $0x7, v3;
	v4 =	vand.u32 $0xFFFFFFF0, v57  }
0x21: {  	v3 =	vor.u32 v3, v4  }
0x22: {  	v4 =	vperm.xlane v3, v0;
	_ =	sdelay $0x1  }
0x23: {  	v3 =	vperm.xlane v3, v2;
	v4 =	vadd.s32 v1, v4;
	_ =	sdelay $0x1  }
0x24: {  	v3 =	vadd.s32 v1, v3;
	_ =	sdelay $0x2  }
0x25: {  	[tilespmem:s10], [sflag:$0x1] =	stream.indirect_vreg.gather [hbm4b:s1+s3], $0x80, v4, vm0, $0xb8;
	[tilespmem:$0x8080] =	vst v63  }
0x26: {  	_ = 	snop  }
0x27: {  	[tilespmem:s11], [sflag:$0x1] =	stream.indirect_vreg.gather [hbm4b:s1+s3], $0x80, v3, vm0, $0xb8;
	[tilespmem:$0x8080] =	vst v63  }
0x28: {  	v3 =	vld [tilespmem:$0x20];
	_ =	sdelay $0x4  }
0x29: {  	v58 =	vshll.u32 v3, $0x1  }
0x2a: {  	v3 =	vand.u32 $0x7, v3;
	v4 =	vand.u32 $0xFFFFFFF0, v58  }
0x2b: {  	v3 =	vor.u32 v3, v4  }
0x2c: {  	v4 =	vperm.xlane v3, v0;
	_ =	sdelay $0x1  }
0x2d: {  	v3 =	vperm.xlane v3, v2;
	v4 =	vadd.s32 v1, v4;
	_ =	sdelay $0x1  }
0x2e: {  	v3 =	vadd.s32 v1, v3;
	_ =	sdelay $0x2  }
0x2f: {  	[tilespmem:s12], [sflag:$0x1] =	stream.indirect_vreg.gather [hbm4b:s1+s3], $0x80, v4, vm0, $0xb8;
	[tilespmem:$0x8080] =	vst v63  }
0x30: {  	_ = 	snop  }
0x31: {  	[tilespmem:s13], [sflag:$0x1] =	stream.indirect_vreg.gather [hbm4b:s1+s3], $0x80, v3, vm0, $0xb8;
	[tilespmem:$0x8080] =	vst v63  }
0x32: {  	v3 =	vld [tilespmem:$0x30];
	_ =	sdelay $0x4  }
0x33: {  	v59 =	vshll.u32 v3, $0x1  }
0x34: {  	v3 =	vand.u32 $0x7, v3;
	v4 =	vand.u32 $0xFFFFFFF0, v59  }
0x35: {  	v3 =	vor.u32 v3, v4  }
0x36: {  	v4 =	vperm.xlane v3, v0;
	_ =	sdelay $0x1  }
0x37: {  	v3 =	vperm.xlane v3, v2;
	v4 =	vadd.s32 v1, v4;
	_ =	sdelay $0x1  }
0x38: {  	v3 =	vadd.s32 v1, v3;
	_ =	sdelay $0x2  }
0x39: {  	[tilespmem:s14], [sflag:$0x1] =	stream.indirect_vreg.gather [hbm4b:s1+s3], $0x80, v4, vm0, $0xb8;
	[tilespmem:$0x8080] =	vst v63  }
0x3a: {  	_ = 	snop  }
0x3b: {  	[tilespmem:s15], [sflag:$0x1] =	stream.indirect_vreg.gather [hbm4b:s1+s3], $0x80, v3, vm0, $0xb8;
	[tilespmem:$0x8080] =	vst v63  }
0x3c: {  	v3 =	vld [tilespmem:$0x40];
	_ =	sdelay $0x4  }
0x3d: {  	v60 =	vshll.u32 v3, $0x1  }
0x3e: {  	v3 =	vand.u32 $0x7, v3;
	v4 =	vand.u32 $0xFFFFFFF0, v60  }
0x3f: {  	v3 =	vor.u32 v3, v4  }
0x40: {  	v4 =	vperm.xlane v3, v0;
	_ =	sdelay $0x1  }
0x41: {  	v3 =	vperm.xlane v3, v2;
	v4 =	vadd.s32 v1, v4;
	_ =	sdelay $0x1  }
0x42: {  	v3 =	vadd.s32 v1, v3;
	_ =	sdelay $0x2  }
0x43: {  	[tilespmem:s16], [sflag:$0x1] =	stream.indirect_vreg.gather [hbm4b:s1+s3], $0x80, v4, vm0, $0xb8;
	[tilespmem:$0x8080] =	vst v63  }
0x44: {  	_ = 	snop  }
0x45: {  	[tilespmem:s17], [sflag:$0x1] =	stream.indirect_vreg.gather [hbm4b:s1+s3], $0x80, v3, vm0, $0xb8;
	[tilespmem:$0x8080] =	vst v63  }
0x46: {  	v3 =	vld [tilespmem:$0x50];
	_ =	sdelay $0x4  }
0x47: {  	v61 =	vshll.u32 v3, $0x1  }
0x48: {  	v3 =	vand.u32 $0x7, v3;
	v4 =	vand.u32 $0xFFFFFFF0, v61  }
0x49: {  	v3 =	vor.u32 v3, v4  }
0x4a: {  	v4 =	vperm.xlane v3, v0;
	_ =	sdelay $0x1  }
0x4b: {  	v3 =	vperm.xlane v3, v2;
	v4 =	vadd.s32 v1, v4;
	_ =	sdelay $0x1  }
0x4c: {  	v3 =	vadd.s32 v1, v3;
	_ =	sdelay $0x2  }
0x4d: {  	[tilespmem:s18], [sflag:$0x1] =	stream.indirect_vreg.gather [hbm4b:s1+s3], $0x80, v4, vm0, $0xb8;
	[tilespmem:$0x8080] =	vst v63  }
0x4e: {  	_ = 	snop  }
0x4f: {  	[tilespmem:s19], [sflag:$0x1] =	stream.indirect_vreg.gather [hbm4b:s1+s3], $0x80, v3, vm0, $0xb8;
	[tilespmem:$0x8080] =	vst v63  }
0x50: {  	v3 =	vld [tilespmem:$0x60];
	_ =	sdelay $0x4  }
0x51: {  	v62 =	vshll.u32 v3, $0x1  }
0x52: {  	v3 =	vand.u32 $0x7, v3;
	v4 =	vand.u32 $0xFFFFFFF0, v62  }
0x53: {  	v3 =	vor.u32 v3, v4  }
0x54: {  	v4 =	vperm.xlane v3, v0;
	_ =	sdelay $0x1  }
0x55: {  	v3 =	vperm.xlane v3, v2;
	v4 =	vadd.s32 v1, v4;
	_ =	sdelay $0x1  }
0x56: {  	v3 =	vadd.s32 v1, v3;
	_ =	sdelay $0x2  }
0x57: {  	[tilespmem:s20], [sflag:$0x1] =	stream.indirect_vreg.gather [hbm4b:s1+s3], $0x80, v4, vm0, $0xb8;
	[tilespmem:$0x8080] =	vst v63  }
0x58: {  	_ = 	snop  }
0x59: {  	[tilespmem:s21], [sflag:$0x1] =	stream.indirect_vreg.gather [hbm4b:s1+s3], $0x80, v3, vm0, $0xb8;
	[tilespmem:$0x8080] =	vst v63  }
0x5a: {  	v3 =	vld [tilespmem:$0x70];
	_ =	sdelay $0x4  }
0x5b: {  	v63 =	vshll.u32 v3, $0x1  }
0x5c: {  	v3 =	vand.u32 $0x7, v3;
	v4 =	vand.u32 $0xFFFFFFF0, v63  }
0x5d: {  	v3 =	vor.u32 v3, v4  }
0x5e: {  	v4 =	vperm.xlane v3, v0;
	_ =	sdelay $0x1  }
0x5f: {  	v3 =	vperm.xlane v3, v2;
	v4 =	vadd.s32 v1, v4;
	_ =	sdelay $0x1  }
0x60: {  	v3 =	vadd.s32 v1, v3;
	_ =	sdelay $0x2  }
0x61: {  	[tilespmem:s22], [sflag:$0x1] =	stream.indirect_vreg.gather [hbm4b:s1+s3], $0x80, v4, vm0, $0xb8;
	[tilespmem:$0x8080] =	vst v63  }
0x62: {  	_ = 	snop  }
0x63: {  	[tilespmem:s23], [sflag:$0x1] =	stream.indirect_vreg.gather [hbm4b:s1+s3], $0x80, v3, vm0, $0xb8;
	[tilespmem:$0x8080] =	vst v63  }
0x64: {  	_ =	swait.ge [sflag:s24], $0x8000  }
0x65: {  	p0 =	sne.s32 s6, $0x1;
	[sflag:s24] =	ssyncset.done $0x0  }
.Ltmp0:
0x66: {  	[sflag:s24] =	ssyncadd.s32 $0xFFFF8000;
	(pc) =	sbr.rel @p0 .LBB2_1-.Ltmp0, $4  }
0x67: {  	[hbm4b:s5+s3] =	stream.linear.scatter [tilespmem:s8], [sflag:$0x2], $0x8000, $0x38;
	[tilespmem:$0x8080] =	vst v63  }
0x68: {  	_ =	swait.ge [sflag:s7], $0x8000  }
0x69: {  	[sflag:s7] =	ssyncset.done $0x0  }
0x6a: {  	s6 =	sadd.s32 $0xFFFFFFFF, s6;
	[sflag:s7] =	ssyncadd.s32 $0xFFFF8000  }
0x6b: {  	_ =	sfence.sel $0x180000  }
0x6c: {  	[bflag:$0x0] =	sbarrier.arrive $0xFFFF  }
0x6d: {  	p0 =	sne.s32 s2, $0x0;
	_ =	strace $0x90000047  }
0x6e: {  	s0 =	sadd.s32 @!p0 $0x100000, s0;
	[bflag:$0x2] =	sbarrier.arrive $0xFFFF  }
0x6f: {  	[sflag:s0] =	ssyncadd.tile.s32 @!p0 $0x1;
	_ =	shalt  }
.Lfunc_end2:
_tile_overlayer_lowered:
.L_overlay_start_2:
0x70: {  	(tag) =	ssettag $0x2  }
0x71: {  	s0 =	rddreg [dreg:$0x0];
	s2 =	stileid.u32  }
0x72: {  	s1 =	rddreg [dreg:$0x1];
	p0 =	sne.s32 s2, $0x0  }
0x73: {  	s3 =	rddreg [dreg:$0x2];
	[bflag:$0x3] =	sbarrier.arrive $0xFFFF;
	s2 =	simm.s32 @!p0 $0x1C02  }
0x74: {  	[timem:s3], [sflag:s2] =	dma.local @!p0 [hbm:s0], s1  }
0x75: {  	s0 =	simm.s32 @!p0 $0x2  }
0x76: {  	_ =	swait.ge @!p0 [sflag:s0], s1  }
0x77: {  	s1 =	ssub.s32 @!p0 $0x0, s1;
	[sflag:s0] =	ssyncset.done @!p0 $0x0  }
0x78: {  	[sflag:s0] =	ssyncadd.s32 @!p0 s1  }
0x79: {  	[bflag:$0x3] =	sbarrier.arrive $0xFFFF  }
0x7a: {  	_ =	shalt  }

</sc_bundles>
